<compile_context>
chip_gen: v7x
topology: tpu7x:2x2x1
jax: 0.10.2.dev20260603
libtpu: 0.0.44.dev20260713+nightly
codegen_flags: <defaults>
</compile_context>

<pallas_src>
import functools

import jax
import jax.numpy as jnp
from jax import lax
from jax.experimental import pallas as pl
from jax.experimental.pallas import tpu as pltpu
from jax.experimental.pallas import tpu_sc as plsc

N = 10000
E = 320000
D_IN = 128
D_HID = 16
D_OUT = 128

NC = 2
NS = 16
NW = NC * NS
CH = 512
NB = 4
EPT = -(-E // NW)
NCH = -(-EPT // (CH * NB)) * NB
E_PAD = NW * NCH * CH
N_PAD = 10240
RPT = N_PAD // NS


def _seg_sum_kernel(with_deg: bool):
  out_type = [jax.ShapeDtypeStruct((NC, N_PAD, D_HID), jnp.float32)]
  scratch = [
      pltpu.VMEM((NCH, CH), jnp.int32),
      pltpu.VMEM((NCH, CH), jnp.int32),
      [pltpu.VMEM((CH, D_HID), jnp.float32) for _ in range(NB)],
      pltpu.VMEM_SHARED((N_PAD, D_HID), jnp.float32),
      [pltpu.SemaphoreType.DMA for _ in range(NB)],
      [pltpu.SemaphoreType.DMA for _ in range(NB)],
  ]
  if with_deg:
    out_type.append(jax.ShapeDtypeStruct((NC, N_PAD, D_HID), jnp.float32))
    scratch.append(pltpu.VMEM((CH, D_HID), jnp.float32))
    scratch.append(pltpu.VMEM_SHARED((N_PAD, D_HID), jnp.float32))

  mesh = plsc.VectorSubcoreMesh(core_axis_name="c", subcore_axis_name="s")

  def body(vals_hbm, srcs_hbm, dsts_hbm, zeros_hbm, ones_hbm, *rest):
    if with_deg:
      out, dout, src_v, dst_v, rows, acc, gsem, ssem, ones_v, dacc = rest
    else:
      out, src_v, dst_v, rows, acc, gsem, ssem = rest
    c = lax.axis_index("c")
    s = lax.axis_index("s")
    wid = c * NS + s
    r0 = s * RPT
    pltpu.sync_copy(zeros_hbm.at[pl.ds(r0, RPT)], acc.at[pl.ds(r0, RPT)])
    if with_deg:
      pltpu.sync_copy(zeros_hbm.at[pl.ds(r0, RPT)], dacc.at[pl.ds(r0, RPT)])
      pltpu.sync_copy(ones_hbm, ones_v)
    pltpu.sync_copy(srcs_hbm.at[wid], src_v)
    pltpu.sync_copy(dsts_hbm.at[wid], dst_v)
    plsc.subcore_barrier()

    def _gather(k, b):
      pltpu.async_copy(vals_hbm.at[src_v.at[k]], rows[b], gsem[b])

    def _wait_gather(b):
      pltpu.make_async_copy(vals_hbm.at[src_v.at[0]], rows[b], gsem[b]).wait()

    def _scatter(k, b):
      pltpu.async_copy(rows[b], acc.at[dst_v.at[k]], ssem[b], add=True)
      if with_deg:
        pltpu.async_copy(ones_v, dacc.at[dst_v.at[k]], ssem[b], add=True)

    def _wait_scatter(b):
      pltpu.make_async_copy(rows[b], acc.at[dst_v.at[0]], ssem[b]).wait()
      if with_deg:
        pltpu.make_async_copy(ones_v, dacc.at[dst_v.at[0]], ssem[b]).wait()

    _gather(0, 0)
    _gather(1, 1)

    @pl.loop(0, NCH, step=NB)
    def _ring(j):
      for u in range(NB):
        k = j + u
        b = u
        bn = (u + 2) % NB
        _wait_gather(b)
        _scatter(k, b)

        @pl.when(k + 2 < NCH)
        def _():
          @pl.when(k >= 2)
          def _():
            _wait_scatter(bn)
          _gather(k + 2, bn)

    for b in range(NB):
      _wait_scatter(b)

    plsc.subcore_barrier()
    pltpu.sync_copy(acc.at[pl.ds(r0, RPT)], out.at[c, pl.ds(r0, RPT)])
    if with_deg:
      pltpu.sync_copy(dacc.at[pl.ds(r0, RPT)], dout.at[c, pl.ds(r0, RPT)])

  return pl.kernel(
      body, out_type=out_type, mesh=mesh, scratch_types=scratch,
      compiler_params=pltpu.CompilerParams(use_tc_tiling_on_sc=False))


def _mm1_body(x_ref, w_ref, o_ref):
  o_ref[...] = jnp.dot(x_ref[...], w_ref[...],
                       preferred_element_type=jnp.float32)


def _mid_body(s1p_ref, dp_ref, y_ref, b1_ref, h1_ref, inv_ref):
  deg = dp_ref[0, :N, :] + dp_ref[1, :N, :]
  inv = 1.0 / (deg + 1.0)
  s1 = s1p_ref[0, :N, :] + s1p_ref[1, :N, :]
  h = (s1 + y_ref[...]) * inv + b1_ref[...]
  h1_ref[...] = jnp.maximum(h, 0.0)
  inv_ref[...] = inv


def _out_body(s2p_ref, h1_ref, inv_ref, w_ref, b2_ref, o_ref):
  t = (s2p_ref[0, :N, :] + s2p_ref[1, :N, :] + h1_ref[...]) * inv_ref[...]
  o_ref[...] = jnp.dot(t, w_ref[...],
                       preferred_element_type=jnp.float32) + b2_ref[...]


_seg_sum_deg = _seg_sum_kernel(with_deg=True)
_seg_sum = _seg_sum_kernel(with_deg=False)

_mm1 = pl.pallas_call(
    _mm1_body, out_shape=jax.ShapeDtypeStruct((N, D_HID), jnp.float32))

_mid = pl.pallas_call(
    _mid_body,
    out_shape=[jax.ShapeDtypeStruct((N, D_HID), jnp.float32),
               jax.ShapeDtypeStruct((N, D_HID), jnp.float32)])

_out = pl.pallas_call(
    _out_body, out_shape=jax.ShapeDtypeStruct((N, D_OUT), jnp.float32))


def kernel(x, edge_index, W1, b1, W2, b2):
  src = edge_index[0]
  dst = edge_index[1]
  pad = E_PAD - E
  pad_ar = jnp.arange(pad, dtype=jnp.int32)
  srcs = jnp.concatenate(
      [src, pad_ar % N]).reshape(NW, NCH, CH)
  dsts = jnp.concatenate(
      [dst, N + pad_ar % (N_PAD - N)]).reshape(NW, NCH, CH)
  zeros = jnp.zeros((N_PAD, D_HID), jnp.float32)
  ones = jnp.ones((CH, D_HID), jnp.float32)

  y = _mm1(x, W1)
  s1p, degp = _seg_sum_deg(y, srcs, dsts, zeros, ones)
  h1, inv = _mid(s1p, degp, y, b1.reshape(1, D_HID))
  (s2p,) = _seg_sum(h1, srcs, dsts, zeros, ones)
  out = _out(s2p, h1, inv, W2, b2.reshape(1, D_OUT))
  return out

# --- scband reference (transcript-rebuilt; emitter-appended) ---
"""Pipeline reference for scband-graph-sage-18322330484806 (READ-ONLY COPY).

The authoritative reference and input builder live on the scoring server;
editing this copy changes nothing except your own understanding.
"""

import jax, jax.numpy as jnp
import numpy as np

N = 10000
E = 320000
D_IN = 128
D_HID = 16
D_OUT = 128


def setup_inputs(seed: int = 0) -> dict:
    key = jax.random.key(seed)
    k_x, k_e, k_w1, k_w2 = jax.random.split(key, 4)
    x = jax.random.normal(k_x, (N, D_IN), dtype=jnp.float32)
    edge_index = jax.random.randint(k_e, (2, E), 0, N, dtype=jnp.int32)
    # SAGEConv (gcn aggregator) has only fc_neigh per layer (no fc_self for gcn)
    W1 = jax.random.normal(k_w1, (D_IN, D_HID), dtype=jnp.float32) * (1.0 / np.sqrt(D_IN))
    b1 = jnp.zeros((D_HID,), dtype=jnp.float32)
    W2 = jax.random.normal(k_w2, (D_HID, D_OUT), dtype=jnp.float32) * (1.0 / np.sqrt(D_HID))
    b2 = jnp.zeros((D_OUT,), dtype=jnp.float32)
    return {"x": x, "edge_index": edge_index, "W1": W1, "b1": b1, "W2": W2, "b2": b2}


def _sage_gcn_layer(h, src, dst, W, b, n_nodes):
    # DGL SAGEConv with aggregator_type='gcn':
    # h_neigh = (sum_{u in N(v)} h_u + h_v) / (in_deg(v) + 1); out = fc_neigh(h_neigh)
    msg = jnp.take(h, src, axis=0)                       # gather over edges
    agg = jax.ops.segment_sum(msg, dst, num_segments=n_nodes)  # scatter-add
    deg = jax.ops.segment_sum(jnp.ones((src.shape[0],), dtype=h.dtype), dst, num_segments=n_nodes)
    h_neigh = (agg + h) / (deg[:, None] + 1.0)
    return h_neigh @ W + b


def reference(x, edge_index, W1, b1, W2, b2):
    # eval mode: dropout is identity
    src = edge_index[0]
    dst = edge_index[1]
    n = x.shape[0]
    h = _sage_gcn_layer(x, src, dst, W1, b1, n)
    h = jax.nn.relu(h)
    out = _sage_gcn_layer(h, src, dst, W2, b2, n)
    return out

if __name__ == "__main__":
    import jax
    _d = setup_inputs()
    print(jax.jit(kernel)(*tuple(_d.values())))

</pallas_src>

<mosaic_0001>
#map = affine_map<(d0, d1) -> (0, 0)>
#map1 = affine_map<(d0, d1) -> (0, 0, 0)>
module attributes {stable_mosaic.version = 14 : i64} {
  func.func @body(%arg0: i32, %arg1: i32, %arg2: memref<10000x16xf32, #tpu.memory_space<hbm>>, %arg3: memref<32x20x512xi32, #tpu.memory_space<hbm>>, %arg4: memref<32x20x512xi32, #tpu.memory_space<hbm>>, %arg5: memref<10240x16xf32, #tpu.memory_space<hbm>>, %arg6: memref<512x16xf32, #tpu.memory_space<hbm>>, %arg7: memref<2x10240x16xf32, #tpu.memory_space<hbm>>, %arg8: memref<2x10240x16xf32, #tpu.memory_space<hbm>>, %arg9: memref<20x512xi32, #tpu.memory_space<vmem>>, %arg10: memref<20x512xi32, #tpu.memory_space<vmem>>, %arg11: memref<512x16xf32, #tpu.memory_space<vmem>>, %arg12: memref<512x16xf32, #tpu.memory_space<vmem>>, %arg13: memref<512x16xf32, #tpu.memory_space<vmem>>, %arg14: memref<512x16xf32, #tpu.memory_space<vmem>>, %arg15: memref<10240x16xf32, #tpu.memory_space<vmem_shared>>, %arg16: memref<!tpu.dma_semaphore, #tpu.memory_space<semaphore_mem>>, %arg17: memref<!tpu.dma_semaphore, #tpu.memory_space<semaphore_mem>>, %arg18: memref<!tpu.dma_semaphore, #tpu.memory_space<semaphore_mem>>, %arg19: memref<!tpu.dma_semaphore, #tpu.memory_space<semaphore_mem>>, %arg20: memref<!tpu.dma_semaphore, #tpu.memory_space<semaphore_mem>>, %arg21: memref<!tpu.dma_semaphore, #tpu.memory_space<semaphore_mem>>, %arg22: memref<!tpu.dma_semaphore, #tpu.memory_space<semaphore_mem>>, %arg23: memref<!tpu.dma_semaphore, #tpu.memory_space<semaphore_mem>>, %arg24: memref<512x16xf32, #tpu.memory_space<vmem>>, %arg25: memref<10240x16xf32, #tpu.memory_space<vmem_shared>>) attributes {dimension_semantics = [#tpu.dimension_semantics<core_parallel>, #tpu.dimension_semantics<subcore_parallel>], iteration_bounds = array<i64: 2, 16>, scalar_prefetch = 0 : i64, scratch_operands = 17 : i64, tpu.core_type = #tpu.core_type<sc_vector_subcore>, window_params = [{transform_indices = #map}, {transform_indices = #map1}, {transform_indices = #map1}, {transform_indices = #map}, {transform_indices = #map}, {transform_indices = #map1}, {transform_indices = #map1}]} {
    %mul3A = arith.constant 16 : i32
    %mul3A_0 = arith.muli %arg0, %mul3A : i32
    %add3A = arith.addi %mul3A_0, %arg1 : i32
    %mul3A_1 = arith.constant 640 : i32
    %mul3A_2 = arith.muli %arg1, %mul3A_1 : i32
    "tpu.region"() ({
      %run_scoped3A = tpu.sem_alloc : memref<!tpu.dma_semaphore, #tpu.memory_space<semaphore_mem>>
      %dma_start3A_76 = arith.constant 0 : i32
      %dma_start3A_77 = tpu.memref_slice %arg15[%mul3A_2, %dma_start3A_76] : memref<10240x16xf32, #tpu.memory_space<vmem_shared>> -> memref<640x16xf32, #tpu.memory_space<vmem_shared>>
      %dma_start3A_78 = arith.constant 0 : i32
      %dma_start3A_79 = tpu.memref_slice %arg5[%mul3A_2, %dma_start3A_78] : memref<10240x16xf32, #tpu.memory_space<hbm>> -> memref<640x16xf32, #tpu.memory_space<hbm>>
      tpu.enqueue_dma source(%dma_start3A_79 : memref<640x16xf32, #tpu.memory_space<hbm>>) target(%dma_start3A_77 : memref<640x16xf32, #tpu.memory_space<vmem_shared>>) target_semaphore(%run_scoped3A : memref<!tpu.dma_semaphore, #tpu.memory_space<semaphore_mem>>)
      %dma_wait3A_80 = arith.constant 0 : i32
      %dma_wait3A_81 = tpu.memref_slice %arg15[%mul3A_2, %dma_wait3A_80] : memref<10240x16xf32, #tpu.memory_space<vmem_shared>> -> memref<640x16xf32, #tpu.memory_space<vmem_shared>>
      %dma_wait3A_82 = arith.constant 0 : i32
      %dma_wait3A_83 = tpu.memref_slice %arg5[%mul3A_2, %dma_wait3A_82] : memref<10240x16xf32, #tpu.memory_space<hbm>> -> memref<640x16xf32, #tpu.memory_space<hbm>>
      tpu.wait_dma2 semaphore(%run_scoped3A : memref<!tpu.dma_semaphore, #tpu.memory_space<semaphore_mem>>) src(%dma_wait3A_83 : memref<640x16xf32, #tpu.memory_space<hbm>>) dst(%dma_wait3A_81 : memref<640x16xf32, #tpu.memory_space<vmem_shared>>)
      tpu.yield
    }) : () -> ()
    "tpu.region"() ({
      %run_scoped3A = tpu.sem_alloc : memref<!tpu.dma_semaphore, #tpu.memory_space<semaphore_mem>>
      %dma_start3A_76 = arith.constant 0 : i32
      %dma_start3A_77 = tpu.memref_slice %arg25[%mul3A_2, %dma_start3A_76] : memref<10240x16xf32, #tpu.memory_space<vmem_shared>> -> memref<640x16xf32, #tpu.memory_space<vmem_shared>>
      %dma_start3A_78 = arith.constant 0 : i32
      %dma_start3A_79 = tpu.memref_slice %arg5[%mul3A_2, %dma_start3A_78] : memref<10240x16xf32, #tpu.memory_space<hbm>> -> memref<640x16xf32, #tpu.memory_space<hbm>>
      tpu.enqueue_dma source(%dma_start3A_79 : memref<640x16xf32, #tpu.memory_space<hbm>>) target(%dma_start3A_77 : memref<640x16xf32, #tpu.memory_space<vmem_shared>>) target_semaphore(%run_scoped3A : memref<!tpu.dma_semaphore, #tpu.memory_space<semaphore_mem>>)
      %dma_wait3A_80 = arith.constant 0 : i32
      %dma_wait3A_81 = tpu.memref_slice %arg25[%mul3A_2, %dma_wait3A_80] : memref<10240x16xf32, #tpu.memory_space<vmem_shared>> -> memref<640x16xf32, #tpu.memory_space<vmem_shared>>
      %dma_wait3A_82 = arith.constant 0 : i32
      %dma_wait3A_83 = tpu.memref_slice %arg5[%mul3A_2, %dma_wait3A_82] : memref<10240x16xf32, #tpu.memory_space<hbm>> -> memref<640x16xf32, #tpu.memory_space<hbm>>
      tpu.wait_dma2 semaphore(%run_scoped3A : memref<!tpu.dma_semaphore, #tpu.memory_space<semaphore_mem>>) src(%dma_wait3A_83 : memref<640x16xf32, #tpu.memory_space<hbm>>) dst(%dma_wait3A_81 : memref<640x16xf32, #tpu.memory_space<vmem_shared>>)
      tpu.yield
    }) : () -> ()
    "tpu.region"() ({
      %run_scoped3A = tpu.sem_alloc : memref<!tpu.dma_semaphore, #tpu.memory_space<semaphore_mem>>
      tpu.enqueue_dma source(%arg6 : memref<512x16xf32, #tpu.memory_space<hbm>>) target(%arg24 : memref<512x16xf32, #tpu.memory_space<vmem>>) target_semaphore(%run_scoped3A : memref<!tpu.dma_semaphore, #tpu.memory_space<semaphore_mem>>)
      tpu.wait_dma2 semaphore(%run_scoped3A : memref<!tpu.dma_semaphore, #tpu.memory_space<semaphore_mem>>) src(%arg6 : memref<512x16xf32, #tpu.memory_space<hbm>>) dst(%arg24 : memref<512x16xf32, #tpu.memory_space<vmem>>)
      tpu.yield
    }) : () -> ()
    "tpu.region"() ({
      %run_scoped3A = tpu.sem_alloc : memref<!tpu.dma_semaphore, #tpu.memory_space<semaphore_mem>>
      %dma_start3A_76 = arith.constant 0 : i32
      %dma_start3A_77 = arith.constant 0 : i32
      %dma_start3A_78 = tpu.memref_slice %arg3[%add3A, %dma_start3A_76, %dma_start3A_77] : memref<32x20x512xi32, #tpu.memory_space<hbm>> -> memref<1x20x512xi32, #tpu.memory_space<hbm>>
      %dma_start3A_79 = tpu.memref_squeeze %dma_start3A_78 : memref<1x20x512xi32, #tpu.memory_space<hbm>> -> memref<20x512xi32, #tpu.memory_space<hbm>>
      %dma_start3A_80 = arith.constant 0 : i32
      %dma_start3A_81 = arith.constant 0 : i32
      %dma_start3A_82 = tpu.memref_slice %arg3[%add3A, %dma_start3A_80, %dma_start3A_81] : memref<32x20x512xi32, #tpu.memory_space<hbm>> -> memref<1x20x512xi32, #tpu.memory_space<hbm>>
      %dma_start3A_83 = tpu.memref_squeeze %dma_start3A_82 : memref<1x20x512xi32, #tpu.memory_space<hbm>> -> memref<20x512xi32, #tpu.memory_space<hbm>>
      tpu.enqueue_dma source(%dma_start3A_83 : memref<20x512xi32, #tpu.memory_space<hbm>>) target(%arg9 : memref<20x512xi32, #tpu.memory_space<vmem>>) target_semaphore(%run_scoped3A : memref<!tpu.dma_semaphore, #tpu.memory_space<semaphore_mem>>)
      %dma_wait3A_84 = arith.constant 0 : i32
      %dma_wait3A_85 = arith.constant 0 : i32
      %dma_wait3A_86 = tpu.memref_slice %arg3[%add3A, %dma_wait3A_84, %dma_wait3A_85] : memref<32x20x512xi32, #tpu.memory_space<hbm>> -> memref<1x20x512xi32, #tpu.memory_space<hbm>>
      %dma_wait3A_87 = tpu.memref_squeeze %dma_wait3A_86 : memref<1x20x512xi32, #tpu.memory_space<hbm>> -> memref<20x512xi32, #tpu.memory_space<hbm>>
      %dma_wait3A_88 = arith.constant 0 : i32
      %dma_wait3A_89 = arith.constant 0 : i32
      %dma_wait3A_90 = tpu.memref_slice %arg3[%add3A, %dma_wait3A_88, %dma_wait3A_89] : memref<32x20x512xi32, #tpu.memory_space<hbm>> -> memref<1x20x512xi32, #tpu.memory_space<hbm>>
      %dma_wait3A_91 = tpu.memref_squeeze %dma_wait3A_90 : memref<1x20x512xi32, #tpu.memory_space<hbm>> -> memref<20x512xi32, #tpu.memory_space<hbm>>
      tpu.wait_dma2 semaphore(%run_scoped3A : memref<!tpu.dma_semaphore, #tpu.memory_space<semaphore_mem>>) src(%dma_wait3A_91 : memref<20x512xi32, #tpu.memory_space<hbm>>) dst(%arg9 : memref<20x512xi32, #tpu.memory_space<vmem>>)
      tpu.yield
    }) : () -> ()
    "tpu.region"() ({
      %run_scoped3A = tpu.sem_alloc : memref<!tpu.dma_semaphore, #tpu.memory_space<semaphore_mem>>
      %dma_start3A_76 = arith.constant 0 : i32
      %dma_start3A_77 = arith.constant 0 : i32
      %dma_start3A_78 = tpu.memref_slice %arg4[%add3A, %dma_start3A_76, %dma_start3A_77] : memref<32x20x512xi32, #tpu.memory_space<hbm>> -> memref<1x20x512xi32, #tpu.memory_space<hbm>>
      %dma_start3A_79 = tpu.memref_squeeze %dma_start3A_78 : memref<1x20x512xi32, #tpu.memory_space<hbm>> -> memref<20x512xi32, #tpu.memory_space<hbm>>
      %dma_start3A_80 = arith.constant 0 : i32
      %dma_start3A_81 = arith.constant 0 : i32
      %dma_start3A_82 = tpu.memref_slice %arg4[%add3A, %dma_start3A_80, %dma_start3A_81] : memref<32x20x512xi32, #tpu.memory_space<hbm>> -> memref<1x20x512xi32, #tpu.memory_space<hbm>>
      %dma_start3A_83 = tpu.memref_squeeze %dma_start3A_82 : memref<1x20x512xi32, #tpu.memory_space<hbm>> -> memref<20x512xi32, #tpu.memory_space<hbm>>
      tpu.enqueue_dma source(%dma_start3A_83 : memref<20x512xi32, #tpu.memory_space<hbm>>) target(%arg10 : memref<20x512xi32, #tpu.memory_space<vmem>>) target_semaphore(%run_scoped3A : memref<!tpu.dma_semaphore, #tpu.memory_space<semaphore_mem>>)
      %dma_wait3A_84 = arith.constant 0 : i32
      %dma_wait3A_85 = arith.constant 0 : i32
      %dma_wait3A_86 = tpu.memref_slice %arg4[%add3A, %dma_wait3A_84, %dma_wait3A_85] : memref<32x20x512xi32, #tpu.memory_space<hbm>> -> memref<1x20x512xi32, #tpu.memory_space<hbm>>
      %dma_wait3A_87 = tpu.memref_squeeze %dma_wait3A_86 : memref<1x20x512xi32, #tpu.memory_space<hbm>> -> memref<20x512xi32, #tpu.memory_space<hbm>>
      %dma_wait3A_88 = arith.constant 0 : i32
      %dma_wait3A_89 = arith.constant 0 : i32
      %dma_wait3A_90 = tpu.memref_slice %arg4[%add3A, %dma_wait3A_88, %dma_wait3A_89] : memref<32x20x512xi32, #tpu.memory_space<hbm>> -> memref<1x20x512xi32, #tpu.memory_space<hbm>>
      %dma_wait3A_91 = tpu.memref_squeeze %dma_wait3A_90 : memref<1x20x512xi32, #tpu.memory_space<hbm>> -> memref<20x512xi32, #tpu.memory_space<hbm>>
      tpu.wait_dma2 semaphore(%run_scoped3A : memref<!tpu.dma_semaphore, #tpu.memory_space<semaphore_mem>>) src(%dma_wait3A_91 : memref<20x512xi32, #tpu.memory_space<hbm>>) dst(%arg10 : memref<20x512xi32, #tpu.memory_space<vmem>>)
      tpu.yield
    }) : () -> ()
    %barrier3A = arith.constant 0 : index
    tpu.barrier barrier_id(%barrier3A)
    %dma_start3A = arith.constant 0 : i32
    %dma_start3A_3 = arith.constant 0 : i32
    %dma_start3A_4 = tpu.memref_slice %arg9[%dma_start3A, %dma_start3A_3] : memref<20x512xi32, #tpu.memory_space<vmem>> -> memref<1x512xi32, #tpu.memory_space<vmem>>
    %dma_start3A_5 = tpu.memref_squeeze %dma_start3A_4 : memref<1x512xi32, #tpu.memory_space<vmem>> -> memref<512xi32, #tpu.memory_space<vmem>>
    %dma_start3A_6 = arith.constant 0 : i32
    %dma_start3A_7 = arith.constant 0 : i32
    %dma_start3A_8 = tpu.memref_slice %arg2[%dma_start3A_6, %dma_start3A_7] : memref<10000x16xf32, #tpu.memory_space<hbm>> -> memref<10000x16xf32, #tpu.memory_space<hbm>>
    tpu.enqueue_indirect_dma source(%dma_start3A_8 : memref<10000x16xf32, #tpu.memory_space<hbm>>) target(%arg11 : memref<512x16xf32, #tpu.memory_space<vmem>>) offsets(%dma_start3A_5 : memref<512xi32, #tpu.memory_space<vmem>>) semaphore(%arg16 : memref<!tpu.dma_semaphore, #tpu.memory_space<semaphore_mem>>)
    %dma_start3A_9 = arith.constant 1 : i32
    %dma_start3A_10 = arith.constant 0 : i32
    %dma_start3A_11 = tpu.memref_slice %arg9[%dma_start3A_9, %dma_start3A_10] : memref<20x512xi32, #tpu.memory_space<vmem>> -> memref<1x512xi32, #tpu.memory_space<vmem>>
    %dma_start3A_12 = tpu.memref_squeeze %dma_start3A_11 : memref<1x512xi32, #tpu.memory_space<vmem>> -> memref<512xi32, #tpu.memory_space<vmem>>
    %dma_start3A_13 = arith.constant 0 : i32
    %dma_start3A_14 = arith.constant 0 : i32
    %dma_start3A_15 = tpu.memref_slice %arg2[%dma_start3A_13, %dma_start3A_14] : memref<10000x16xf32, #tpu.memory_space<hbm>> -> memref<10000x16xf32, #tpu.memory_space<hbm>>
    tpu.enqueue_indirect_dma source(%dma_start3A_15 : memref<10000x16xf32, #tpu.memory_space<hbm>>) target(%arg12 : memref<512x16xf32, #tpu.memory_space<vmem>>) offsets(%dma_start3A_12 : memref<512xi32, #tpu.memory_space<vmem>>) semaphore(%arg17 : memref<!tpu.dma_semaphore, #tpu.memory_space<semaphore_mem>>)
    %scan3A = arith.constant 0 : i32
    %scan3A_16 = arith.constant 5 : i32
    %scan3A_17 = arith.addi %scan3A, %scan3A_16 : i32
    %scan3A_18 = arith.constant 1 : i32
    scf.for %scan3A_76 = %scan3A to %scan3A_17 step %scan3A_18  : i32 {
      %mul3A_77 = arith.constant 4 : i32
      %mul3A_78 = arith.muli %scan3A_76, %mul3A_77 : i32
      %add3A_79 = arith.constant 0 : i32
      %add3A_80 = arith.addi %add3A_79, %mul3A_78 : i32
      %add3A_81 = arith.constant 0 : i32
      %add3A_82 = arith.addi %add3A_80, %add3A_81 : i32
      %dma_wait3A_83 = arith.constant 0 : i32
      %dma_wait3A_84 = arith.constant 0 : i32
      %dma_wait3A_85 = tpu.memref_slice %arg9[%dma_wait3A_83, %dma_wait3A_84] : memref<20x512xi32, #tpu.memory_space<vmem>> -> memref<1x512xi32, #tpu.memory_space<vmem>>
      %dma_wait3A_86 = tpu.memref_squeeze %dma_wait3A_85 : memref<1x512xi32, #tpu.memory_space<vmem>> -> memref<512xi32, #tpu.memory_space<vmem>>
      %dma_wait3A_87 = arith.constant 0 : i32
      %dma_wait3A_88 = arith.constant 0 : i32
      %dma_wait3A_89 = tpu.memref_slice %arg2[%dma_wait3A_87, %dma_wait3A_88] : memref<10000x16xf32, #tpu.memory_space<hbm>> -> memref<10000x16xf32, #tpu.memory_space<hbm>>
      tpu.wait_indirect_dma semaphore(%arg16 : memref<!tpu.dma_semaphore, #tpu.memory_space<semaphore_mem>>) src(%dma_wait3A_89 : memref<10000x16xf32, #tpu.memory_space<hbm>>) dst(%arg11 : memref<512x16xf32, #tpu.memory_space<vmem>>)
      %dma_start3A_90 = arith.constant 0 : i32
      %dma_start3A_91 = tpu.memref_slice %arg10[%add3A_82, %dma_start3A_90] : memref<20x512xi32, #tpu.memory_space<vmem>> -> memref<1x512xi32, #tpu.memory_space<vmem>>
      %dma_start3A_92 = tpu.memref_squeeze %dma_start3A_91 : memref<1x512xi32, #tpu.memory_space<vmem>> -> memref<512xi32, #tpu.memory_space<vmem>>
      %dma_start3A_93 = arith.constant 0 : i32
      %dma_start3A_94 = arith.constant 0 : i32
      %dma_start3A_95 = tpu.memref_slice %arg15[%dma_start3A_93, %dma_start3A_94] : memref<10240x16xf32, #tpu.memory_space<vmem_shared>> -> memref<10240x16xf32, #tpu.memory_space<vmem_shared>>
      tpu.enqueue_indirect_dma source(%arg11 : memref<512x16xf32, #tpu.memory_space<vmem>>) target(%dma_start3A_95 : memref<10240x16xf32, #tpu.memory_space<vmem_shared>>) offsets(%dma_start3A_92 : memref<512xi32, #tpu.memory_space<vmem>>) semaphore(%arg20 : memref<!tpu.dma_semaphore, #tpu.memory_space<semaphore_mem>>) {add = true}
      %dma_start3A_96 = arith.constant 0 : i32
      %dma_start3A_97 = tpu.memref_slice %arg10[%add3A_82, %dma_start3A_96] : memref<20x512xi32, #tpu.memory_space<vmem>> -> memref<1x512xi32, #tpu.memory_space<vmem>>
      %dma_start3A_98 = tpu.memref_squeeze %dma_start3A_97 : memref<1x512xi32, #tpu.memory_space<vmem>> -> memref<512xi32, #tpu.memory_space<vmem>>
      %dma_start3A_99 = arith.constant 0 : i32
      %dma_start3A_100 = arith.constant 0 : i32
      %dma_start3A_101 = tpu.memref_slice %arg25[%dma_start3A_99, %dma_start3A_100] : memref<10240x16xf32, #tpu.memory_space<vmem_shared>> -> memref<10240x16xf32, #tpu.memory_space<vmem_shared>>
      tpu.enqueue_indirect_dma source(%arg24 : memref<512x16xf32, #tpu.memory_space<vmem>>) target(%dma_start3A_101 : memref<10240x16xf32, #tpu.memory_space<vmem_shared>>) offsets(%dma_start3A_98 : memref<512xi32, #tpu.memory_space<vmem>>) semaphore(%arg20 : memref<!tpu.dma_semaphore, #tpu.memory_space<semaphore_mem>>) {add = true}
      %add3A_102 = arith.constant 2 : i32
      %add3A_103 = arith.addi %add3A_82, %add3A_102 : i32
      %lt3A = arith.constant 20 : i32
      %lt3A_104 = arith.cmpi slt, %add3A_103, %lt3A : i32
      %convert_element_type3A = arith.extui %lt3A_104 : i1 to i32
      %cond3A = arith.constant 0 : i32
      %cond3A_105 = arith.cmpi ne, %convert_element_type3A, %cond3A : i32
      scf.if %cond3A_105 {
        %ge3A = arith.constant 2 : i32
        %ge3A_190 = arith.cmpi sge, %add3A_82, %ge3A : i32
        %convert_element_type3A_191 = arith.extui %ge3A_190 : i1 to i32
        %cond3A_192 = arith.constant 0 : i32
        %cond3A_193 = arith.cmpi ne, %convert_element_type3A_191, %cond3A_192 : i32
        scf.if %cond3A_193 {
          %dma_wait3A_202 = arith.constant 0 : i32
          %dma_wait3A_203 = arith.constant 0 : i32
          %dma_wait3A_204 = tpu.memref_slice %arg10[%dma_wait3A_202, %dma_wait3A_203] : memref<20x512xi32, #tpu.memory_space<vmem>> -> memref<1x512xi32, #tpu.memory_space<vmem>>
          %dma_wait3A_205 = tpu.memref_squeeze %dma_wait3A_204 : memref<1x512xi32, #tpu.memory_space<vmem>> -> memref<512xi32, #tpu.memory_space<vmem>>
          %dma_wait3A_206 = arith.constant 0 : i32
          %dma_wait3A_207 = arith.constant 0 : i32
          %dma_wait3A_208 = tpu.memref_slice %arg15[%dma_wait3A_206, %dma_wait3A_207] : memref<10240x16xf32, #tpu.memory_space<vmem_shared>> -> memref<10240x16xf32, #tpu.memory_space<vmem_shared>>
          tpu.wait_indirect_dma semaphore(%arg22 : memref<!tpu.dma_semaphore, #tpu.memory_space<semaphore_mem>>) src(%arg13 : memref<512x16xf32, #tpu.memory_space<vmem>>) dst(%dma_wait3A_208 : memref<10240x16xf32, #tpu.memory_space<vmem_shared>>)
          %dma_wait3A_209 = arith.constant 0 : i32
          %dma_wait3A_210 = arith.constant 0 : i32
          %dma_wait3A_211 = tpu.memref_slice %arg10[%dma_wait3A_209, %dma_wait3A_210] : memref<20x512xi32, #tpu.memory_space<vmem>> -> memref<1x512xi32, #tpu.memory_space<vmem>>
          %dma_wait3A_212 = tpu.memref_squeeze %dma_wait3A_211 : memref<1x512xi32, #tpu.memory_space<vmem>> -> memref<512xi32, #tpu.memory_space<vmem>>
          %dma_wait3A_213 = arith.constant 0 : i32
          %dma_wait3A_214 = arith.constant 0 : i32
          %dma_wait3A_215 = tpu.memref_slice %arg25[%dma_wait3A_213, %dma_wait3A_214] : memref<10240x16xf32, #tpu.memory_space<vmem_shared>> -> memref<10240x16xf32, #tpu.memory_space<vmem_shared>>
          tpu.wait_indirect_dma semaphore(%arg22 : memref<!tpu.dma_semaphore, #tpu.memory_space<semaphore_mem>>) src(%arg24 : memref<512x16xf32, #tpu.memory_space<vmem>>) dst(%dma_wait3A_215 : memref<10240x16xf32, #tpu.memory_space<vmem_shared>>)
        } else {
        }
        %add3A_194 = arith.constant 2 : i32
        %add3A_195 = arith.addi %add3A_82, %add3A_194 : i32
        %dma_start3A_196 = arith.constant 0 : i32
        %dma_start3A_197 = tpu.memref_slice %arg9[%add3A_195, %dma_start3A_196] : memref<20x512xi32, #tpu.memory_space<vmem>> -> memref<1x512xi32, #tpu.memory_space<vmem>>
        %dma_start3A_198 = tpu.memref_squeeze %dma_start3A_197 : memref<1x512xi32, #tpu.memory_space<vmem>> -> memref<512xi32, #tpu.memory_space<vmem>>
        %dma_start3A_199 = arith.constant 0 : i32
        %dma_start3A_200 = arith.constant 0 : i32
        %dma_start3A_201 = tpu.memref_slice %arg2[%dma_start3A_199, %dma_start3A_200] : memref<10000x16xf32, #tpu.memory_space<hbm>> -> memref<10000x16xf32, #tpu.memory_space<hbm>>
        tpu.enqueue_indirect_dma source(%dma_start3A_201 : memref<10000x16xf32, #tpu.memory_space<hbm>>) target(%arg13 : memref<512x16xf32, #tpu.memory_space<vmem>>) offsets(%dma_start3A_198 : memref<512xi32, #tpu.memory_space<vmem>>) semaphore(%arg18 : memref<!tpu.dma_semaphore, #tpu.memory_space<semaphore_mem>>)
      } else {
      }
      %add3A_106 = arith.constant 1 : i32
      %add3A_107 = arith.addi %add3A_80, %add3A_106 : i32
      %dma_wait3A_108 = arith.constant 0 : i32
      %dma_wait3A_109 = arith.constant 0 : i32
      %dma_wait3A_110 = tpu.memref_slice %arg9[%dma_wait3A_108, %dma_wait3A_109] : memref<20x512xi32, #tpu.memory_space<vmem>> -> memref<1x512xi32, #tpu.memory_space<vmem>>
      %dma_wait3A_111 = tpu.memref_squeeze %dma_wait3A_110 : memref<1x512xi32, #tpu.memory_space<vmem>> -> memref<512xi32, #tpu.memory_space<vmem>>
      %dma_wait3A_112 = arith.constant 0 : i32
      %dma_wait3A_113 = arith.constant 0 : i32
      %dma_wait3A_114 = tpu.memref_slice %arg2[%dma_wait3A_112, %dma_wait3A_113] : memref<10000x16xf32, #tpu.memory_space<hbm>> -> memref<10000x16xf32, #tpu.memory_space<hbm>>
      tpu.wait_indirect_dma semaphore(%arg17 : memref<!tpu.dma_semaphore, #tpu.memory_space<semaphore_mem>>) src(%dma_wait3A_114 : memref<10000x16xf32, #tpu.memory_space<hbm>>) dst(%arg12 : memref<512x16xf32, #tpu.memory_space<vmem>>)
      %dma_start3A_115 = arith.constant 0 : i32
      %dma_start3A_116 = tpu.memref_slice %arg10[%add3A_107, %dma_start3A_115] : memref<20x512xi32, #tpu.memory_space<vmem>> -> memref<1x512xi32, #tpu.memory_space<vmem>>
      %dma_start3A_117 = tpu.memref_squeeze %dma_start3A_116 : memref<1x512xi32, #tpu.memory_space<vmem>> -> memref<512xi32, #tpu.memory_space<vmem>>
      %dma_start3A_118 = arith.constant 0 : i32
      %dma_start3A_119 = arith.constant 0 : i32
      %dma_start3A_120 = tpu.memref_slice %arg15[%dma_start3A_118, %dma_start3A_119] : memref<10240x16xf32, #tpu.memory_space<vmem_shared>> -> memref<10240x16xf32, #tpu.memory_space<vmem_shared>>
      tpu.enqueue_indirect_dma source(%arg12 : memref<512x16xf32, #tpu.memory_space<vmem>>) target(%dma_start3A_120 : memref<10240x16xf32, #tpu.memory_space<vmem_shared>>) offsets(%dma_start3A_117 : memref<512xi32, #tpu.memory_space<vmem>>) semaphore(%arg21 : memref<!tpu.dma_semaphore, #tpu.memory_space<semaphore_mem>>) {add = true}
      %dma_start3A_121 = arith.constant 0 : i32
      %dma_start3A_122 = tpu.memref_slice %arg10[%add3A_107, %dma_start3A_121] : memref<20x512xi32, #tpu.memory_space<vmem>> -> memref<1x512xi32, #tpu.memory_space<vmem>>
      %dma_start3A_123 = tpu.memref_squeeze %dma_start3A_122 : memref<1x512xi32, #tpu.memory_space<vmem>> -> memref<512xi32, #tpu.memory_space<vmem>>
      %dma_start3A_124 = arith.constant 0 : i32
      %dma_start3A_125 = arith.constant 0 : i32
      %dma_start3A_126 = tpu.memref_slice %arg25[%dma_start3A_124, %dma_start3A_125] : memref<10240x16xf32, #tpu.memory_space<vmem_shared>> -> memref<10240x16xf32, #tpu.memory_space<vmem_shared>>
      tpu.enqueue_indirect_dma source(%arg24 : memref<512x16xf32, #tpu.memory_space<vmem>>) target(%dma_start3A_126 : memref<10240x16xf32, #tpu.memory_space<vmem_shared>>) offsets(%dma_start3A_123 : memref<512xi32, #tpu.memory_space<vmem>>) semaphore(%arg21 : memref<!tpu.dma_semaphore, #tpu.memory_space<semaphore_mem>>) {add = true}
      %add3A_127 = arith.constant 2 : i32
      %add3A_128 = arith.addi %add3A_107, %add3A_127 : i32
      %lt3A_129 = arith.constant 20 : i32
      %lt3A_130 = arith.cmpi slt, %add3A_128, %lt3A_129 : i32
      %convert_element_type3A_131 = arith.extui %lt3A_130 : i1 to i32
      %cond3A_132 = arith.constant 0 : i32
      %cond3A_133 = arith.cmpi ne, %convert_element_type3A_131, %cond3A_132 : i32
      scf.if %cond3A_133 {
        %ge3A = arith.constant 2 : i32
        %ge3A_190 = arith.cmpi sge, %add3A_107, %ge3A : i32
        %convert_element_type3A_191 = arith.extui %ge3A_190 : i1 to i32
        %cond3A_192 = arith.constant 0 : i32
        %cond3A_193 = arith.cmpi ne, %convert_element_type3A_191, %cond3A_192 : i32
        scf.if %cond3A_193 {
          %dma_wait3A_202 = arith.constant 0 : i32
          %dma_wait3A_203 = arith.constant 0 : i32
          %dma_wait3A_204 = tpu.memref_slice %arg10[%dma_wait3A_202, %dma_wait3A_203] : memref<20x512xi32, #tpu.memory_space<vmem>> -> memref<1x512xi32, #tpu.memory_space<vmem>>
          %dma_wait3A_205 = tpu.memref_squeeze %dma_wait3A_204 : memref<1x512xi32, #tpu.memory_space<vmem>> -> memref<512xi32, #tpu.memory_space<vmem>>
          %dma_wait3A_206 = arith.constant 0 : i32
          %dma_wait3A_207 = arith.constant 0 : i32
          %dma_wait3A_208 = tpu.memref_slice %arg15[%dma_wait3A_206, %dma_wait3A_207] : memref<10240x16xf32, #tpu.memory_space<vmem_shared>> -> memref<10240x16xf32, #tpu.memory_space<vmem_shared>>
          tpu.wait_indirect_dma semaphore(%arg23 : memref<!tpu.dma_semaphore, #tpu.memory_space<semaphore_mem>>) src(%arg14 : memref<512x16xf32, #tpu.memory_space<vmem>>) dst(%dma_wait3A_208 : memref<10240x16xf32, #tpu.memory_space<vmem_shared>>)
          %dma_wait3A_209 = arith.constant 0 : i32
          %dma_wait3A_210 = arith.constant 0 : i32
          %dma_wait3A_211 = tpu.memref_slice %arg10[%dma_wait3A_209, %dma_wait3A_210] : memref<20x512xi32, #tpu.memory_space<vmem>> -> memref<1x512xi32, #tpu.memory_space<vmem>>
          %dma_wait3A_212 = tpu.memref_squeeze %dma_wait3A_211 : memref<1x512xi32, #tpu.memory_space<vmem>> -> memref<512xi32, #tpu.memory_space<vmem>>
          %dma_wait3A_213 = arith.constant 0 : i32
          %dma_wait3A_214 = arith.constant 0 : i32
          %dma_wait3A_215 = tpu.memref_slice %arg25[%dma_wait3A_213, %dma_wait3A_214] : memref<10240x16xf32, #tpu.memory_space<vmem_shared>> -> memref<10240x16xf32, #tpu.memory_space<vmem_shared>>
          tpu.wait_indirect_dma semaphore(%arg23 : memref<!tpu.dma_semaphore, #tpu.memory_space<semaphore_mem>>) src(%arg24 : memref<512x16xf32, #tpu.memory_space<vmem>>) dst(%dma_wait3A_215 : memref<10240x16xf32, #tpu.memory_space<vmem_shared>>)
        } else {
        }
        %add3A_194 = arith.constant 2 : i32
        %add3A_195 = arith.addi %add3A_107, %add3A_194 : i32
        %dma_start3A_196 = arith.constant 0 : i32
        %dma_start3A_197 = tpu.memref_slice %arg9[%add3A_195, %dma_start3A_196] : memref<20x512xi32, #tpu.memory_space<vmem>> -> memref<1x512xi32, #tpu.memory_space<vmem>>
        %dma_start3A_198 = tpu.memref_squeeze %dma_start3A_197 : memref<1x512xi32, #tpu.memory_space<vmem>> -> memref<512xi32, #tpu.memory_space<vmem>>
        %dma_start3A_199 = arith.constant 0 : i32
        %dma_start3A_200 = arith.constant 0 : i32
        %dma_start3A_201 = tpu.memref_slice %arg2[%dma_start3A_199, %dma_start3A_200] : memref<10000x16xf32, #tpu.memory_space<hbm>> -> memref<10000x16xf32, #tpu.memory_space<hbm>>
        tpu.enqueue_indirect_dma source(%dma_start3A_201 : memref<10000x16xf32, #tpu.memory_space<hbm>>) target(%arg14 : memref<512x16xf32, #tpu.memory_space<vmem>>) offsets(%dma_start3A_198 : memref<512xi32, #tpu.memory_space<vmem>>) semaphore(%arg19 : memref<!tpu.dma_semaphore, #tpu.memory_space<semaphore_mem>>)
      } else {
      }
      %add3A_134 = arith.constant 2 : i32
      %add3A_135 = arith.addi %add3A_80, %add3A_134 : i32
      %dma_wait3A_136 = arith.constant 0 : i32
      %dma_wait3A_137 = arith.constant 0 : i32
      %dma_wait3A_138 = tpu.memref_slice %arg9[%dma_wait3A_136, %dma_wait3A_137] : memref<20x512xi32, #tpu.memory_space<vmem>> -> memref<1x512xi32, #tpu.memory_space<vmem>>
      %dma_wait3A_139 = tpu.memref_squeeze %dma_wait3A_138 : memref<1x512xi32, #tpu.memory_space<vmem>> -> memref<512xi32, #tpu.memory_space<vmem>>
      %dma_wait3A_140 = arith.constant 0 : i32
      %dma_wait3A_141 = arith.constant 0 : i32
      %dma_wait3A_142 = tpu.memref_slice %arg2[%dma_wait3A_140, %dma_wait3A_141] : memref<10000x16xf32, #tpu.memory_space<hbm>> -> memref<10000x16xf32, #tpu.memory_space<hbm>>
      tpu.wait_indirect_dma semaphore(%arg18 : memref<!tpu.dma_semaphore, #tpu.memory_space<semaphore_mem>>) src(%dma_wait3A_142 : memref<10000x16xf32, #tpu.memory_space<hbm>>) dst(%arg13 : memref<512x16xf32, #tpu.memory_space<vmem>>)
      %dma_start3A_143 = arith.constant 0 : i32
      %dma_start3A_144 = tpu.memref_slice %arg10[%add3A_135, %dma_start3A_143] : memref<20x512xi32, #tpu.memory_space<vmem>> -> memref<1x512xi32, #tpu.memory_space<vmem>>
      %dma_start3A_145 = tpu.memref_squeeze %dma_start3A_144 : memref<1x512xi32, #tpu.memory_space<vmem>> -> memref<512xi32, #tpu.memory_space<vmem>>
      %dma_start3A_146 = arith.constant 0 : i32
      %dma_start3A_147 = arith.constant 0 : i32
      %dma_start3A_148 = tpu.memref_slice %arg15[%dma_start3A_146, %dma_start3A_147] : memref<10240x16xf32, #tpu.memory_space<vmem_shared>> -> memref<10240x16xf32, #tpu.memory_space<vmem_shared>>
      tpu.enqueue_indirect_dma source(%arg13 : memref<512x16xf32, #tpu.memory_space<vmem>>) target(%dma_start3A_148 : memref<10240x16xf32, #tpu.memory_space<vmem_shared>>) offsets(%dma_start3A_145 : memref<512xi32, #tpu.memory_space<vmem>>) semaphore(%arg22 : memref<!tpu.dma_semaphore, #tpu.memory_space<semaphore_mem>>) {add = true}
      %dma_start3A_149 = arith.constant 0 : i32
      %dma_start3A_150 = tpu.memref_slice %arg10[%add3A_135, %dma_start3A_149] : memref<20x512xi32, #tpu.memory_space<vmem>> -> memref<1x512xi32, #tpu.memory_space<vmem>>
      %dma_start3A_151 = tpu.memref_squeeze %dma_start3A_150 : memref<1x512xi32, #tpu.memory_space<vmem>> -> memref<512xi32, #tpu.memory_space<vmem>>
      %dma_start3A_152 = arith.constant 0 : i32
      %dma_start3A_153 = arith.constant 0 : i32
      %dma_start3A_154 = tpu.memref_slice %arg25[%dma_start3A_152, %dma_start3A_153] : memref<10240x16xf32, #tpu.memory_space<vmem_shared>> -> memref<10240x16xf32, #tpu.memory_space<vmem_shared>>
      tpu.enqueue_indirect_dma source(%arg24 : memref<512x16xf32, #tpu.memory_space<vmem>>) target(%dma_start3A_154 : memref<10240x16xf32, #tpu.memory_space<vmem_shared>>) offsets(%dma_start3A_151 : memref<512xi32, #tpu.memory_space<vmem>>) semaphore(%arg22 : memref<!tpu.dma_semaphore, #tpu.memory_space<semaphore_mem>>) {add = true}
      %add3A_155 = arith.constant 2 : i32
      %add3A_156 = arith.addi %add3A_135, %add3A_155 : i32
      %lt3A_157 = arith.constant 20 : i32
      %lt3A_158 = arith.cmpi slt, %add3A_156, %lt3A_157 : i32
      %convert_element_type3A_159 = arith.extui %lt3A_158 : i1 to i32
      %cond3A_160 = arith.constant 0 : i32
      %cond3A_161 = arith.cmpi ne, %convert_element_type3A_159, %cond3A_160 : i32
      scf.if %cond3A_161 {
        %ge3A = arith.constant 2 : i32
        %ge3A_190 = arith.cmpi sge, %add3A_135, %ge3A : i32
        %convert_element_type3A_191 = arith.extui %ge3A_190 : i1 to i32
        %cond3A_192 = arith.constant 0 : i32
        %cond3A_193 = arith.cmpi ne, %convert_element_type3A_191, %cond3A_192 : i32
        scf.if %cond3A_193 {
          %dma_wait3A_202 = arith.constant 0 : i32
          %dma_wait3A_203 = arith.constant 0 : i32
          %dma_wait3A_204 = tpu.memref_slice %arg10[%dma_wait3A_202, %dma_wait3A_203] : memref<20x512xi32, #tpu.memory_space<vmem>> -> memref<1x512xi32, #tpu.memory_space<vmem>>
          %dma_wait3A_205 = tpu.memref_squeeze %dma_wait3A_204 : memref<1x512xi32, #tpu.memory_space<vmem>> -> memref<512xi32, #tpu.memory_space<vmem>>
          %dma_wait3A_206 = arith.constant 0 : i32
          %dma_wait3A_207 = arith.constant 0 : i32
          %dma_wait3A_208 = tpu.memref_slice %arg15[%dma_wait3A_206, %dma_wait3A_207] : memref<10240x16xf32, #tpu.memory_space<vmem_shared>> -> memref<10240x16xf32, #tpu.memory_space<vmem_shared>>
          tpu.wait_indirect_dma semaphore(%arg20 : memref<!tpu.dma_semaphore, #tpu.memory_space<semaphore_mem>>) src(%arg11 : memref<512x16xf32, #tpu.memory_space<vmem>>) dst(%dma_wait3A_208 : memref<10240x16xf32, #tpu.memory_space<vmem_shared>>)
          %dma_wait3A_209 = arith.constant 0 : i32
          %dma_wait3A_210 = arith.constant 0 : i32
          %dma_wait3A_211 = tpu.memref_slice %arg10[%dma_wait3A_209, %dma_wait3A_210] : memref<20x512xi32, #tpu.memory_space<vmem>> -> memref<1x512xi32, #tpu.memory_space<vmem>>
          %dma_wait3A_212 = tpu.memref_squeeze %dma_wait3A_211 : memref<1x512xi32, #tpu.memory_space<vmem>> -> memref<512xi32, #tpu.memory_space<vmem>>
          %dma_wait3A_213 = arith.constant 0 : i32
          %dma_wait3A_214 = arith.constant 0 : i32
          %dma_wait3A_215 = tpu.memref_slice %arg25[%dma_wait3A_213, %dma_wait3A_214] : memref<10240x16xf32, #tpu.memory_space<vmem_shared>> -> memref<10240x16xf32, #tpu.memory_space<vmem_shared>>
          tpu.wait_indirect_dma semaphore(%arg20 : memref<!tpu.dma_semaphore, #tpu.memory_space<semaphore_mem>>) src(%arg24 : memref<512x16xf32, #tpu.memory_space<vmem>>) dst(%dma_wait3A_215 : memref<10240x16xf32, #tpu.memory_space<vmem_shared>>)
        } else {
        }
        %add3A_194 = arith.constant 2 : i32
        %add3A_195 = arith.addi %add3A_135, %add3A_194 : i32
        %dma_start3A_196 = arith.constant 0 : i32
        %dma_start3A_197 = tpu.memref_slice %arg9[%add3A_195, %dma_start3A_196] : memref<20x512xi32, #tpu.memory_space<vmem>> -> memref<1x512xi32, #tpu.memory_space<vmem>>
        %dma_start3A_198 = tpu.memref_squeeze %dma_start3A_197 : memref<1x512xi32, #tpu.memory_space<vmem>> -> memref<512xi32, #tpu.memory_space<vmem>>
        %dma_start3A_199 = arith.constant 0 : i32
        %dma_start3A_200 = arith.constant 0 : i32
        %dma_start3A_201 = tpu.memref_slice %arg2[%dma_start3A_199, %dma_start3A_200] : memref<10000x16xf32, #tpu.memory_space<hbm>> -> memref<10000x16xf32, #tpu.memory_space<hbm>>
        tpu.enqueue_indirect_dma source(%dma_start3A_201 : memref<10000x16xf32, #tpu.memory_space<hbm>>) target(%arg11 : memref<512x16xf32, #tpu.memory_space<vmem>>) offsets(%dma_start3A_198 : memref<512xi32, #tpu.memory_space<vmem>>) semaphore(%arg16 : memref<!tpu.dma_semaphore, #tpu.memory_space<semaphore_mem>>)
      } else {
      }
      %add3A_162 = arith.constant 3 : i32
      %add3A_163 = arith.addi %add3A_80, %add3A_162 : i32
      %dma_wait3A_164 = arith.constant 0 : i32
      %dma_wait3A_165 = arith.constant 0 : i32
      %dma_wait3A_166 = tpu.memref_slice %arg9[%dma_wait3A_164, %dma_wait3A_165] : memref<20x512xi32, #tpu.memory_space<vmem>> -> memref<1x512xi32, #tpu.memory_space<vmem>>
      %dma_wait3A_167 = tpu.memref_squeeze %dma_wait3A_166 : memref<1x512xi32, #tpu.memory_space<vmem>> -> memref<512xi32, #tpu.memory_space<vmem>>
      %dma_wait3A_168 = arith.constant 0 : i32
      %dma_wait3A_169 = arith.constant 0 : i32
      %dma_wait3A_170 = tpu.memref_slice %arg2[%dma_wait3A_168, %dma_wait3A_169] : memref<10000x16xf32, #tpu.memory_space<hbm>> -> memref<10000x16xf32, #tpu.memory_space<hbm>>
      tpu.wait_indirect_dma semaphore(%arg19 : memref<!tpu.dma_semaphore, #tpu.memory_space<semaphore_mem>>) src(%dma_wait3A_170 : memref<10000x16xf32, #tpu.memory_space<hbm>>) dst(%arg14 : memref<512x16xf32, #tpu.memory_space<vmem>>)
      %dma_start3A_171 = arith.constant 0 : i32
      %dma_start3A_172 = tpu.memref_slice %arg10[%add3A_163, %dma_start3A_171] : memref<20x512xi32, #tpu.memory_space<vmem>> -> memref<1x512xi32, #tpu.memory_space<vmem>>
      %dma_start3A_173 = tpu.memref_squeeze %dma_start3A_172 : memref<1x512xi32, #tpu.memory_space<vmem>> -> memref<512xi32, #tpu.memory_space<vmem>>
      %dma_start3A_174 = arith.constant 0 : i32
      %dma_start3A_175 = arith.constant 0 : i32
      %dma_start3A_176 = tpu.memref_slice %arg15[%dma_start3A_174, %dma_start3A_175] : memref<10240x16xf32, #tpu.memory_space<vmem_shared>> -> memref<10240x16xf32, #tpu.memory_space<vmem_shared>>
      tpu.enqueue_indirect_dma source(%arg14 : memref<512x16xf32, #tpu.memory_space<vmem>>) target(%dma_start3A_176 : memref<10240x16xf32, #tpu.memory_space<vmem_shared>>) offsets(%dma_start3A_173 : memref<512xi32, #tpu.memory_space<vmem>>) semaphore(%arg23 : memref<!tpu.dma_semaphore, #tpu.memory_space<semaphore_mem>>) {add = true}
      %dma_start3A_177 = arith.constant 0 : i32
      %dma_start3A_178 = tpu.memref_slice %arg10[%add3A_163, %dma_start3A_177] : memref<20x512xi32, #tpu.memory_space<vmem>> -> memref<1x512xi32, #tpu.memory_space<vmem>>
      %dma_start3A_179 = tpu.memref_squeeze %dma_start3A_178 : memref<1x512xi32, #tpu.memory_space<vmem>> -> memref<512xi32, #tpu.memory_space<vmem>>
      %dma_start3A_180 = arith.constant 0 : i32
      %dma_start3A_181 = arith.constant 0 : i32
      %dma_start3A_182 = tpu.memref_slice %arg25[%dma_start3A_180, %dma_start3A_181] : memref<10240x16xf32, #tpu.memory_space<vmem_shared>> -> memref<10240x16xf32, #tpu.memory_space<vmem_shared>>
      tpu.enqueue_indirect_dma source(%arg24 : memref<512x16xf32, #tpu.memory_space<vmem>>) target(%dma_start3A_182 : memref<10240x16xf32, #tpu.memory_space<vmem_shared>>) offsets(%dma_start3A_179 : memref<512xi32, #tpu.memory_space<vmem>>) semaphore(%arg23 : memref<!tpu.dma_semaphore, #tpu.memory_space<semaphore_mem>>) {add = true}
      %add3A_183 = arith.constant 2 : i32
      %add3A_184 = arith.addi %add3A_163, %add3A_183 : i32
      %lt3A_185 = arith.constant 20 : i32
      %lt3A_186 = arith.cmpi slt, %add3A_184, %lt3A_185 : i32
      %convert_element_type3A_187 = arith.extui %lt3A_186 : i1 to i32
      %cond3A_188 = arith.constant 0 : i32
      %cond3A_189 = arith.cmpi ne, %convert_element_type3A_187, %cond3A_188 : i32
      scf.if %cond3A_189 {
        %ge3A = arith.constant 2 : i32
        %ge3A_190 = arith.cmpi sge, %add3A_163, %ge3A : i32
        %convert_element_type3A_191 = arith.extui %ge3A_190 : i1 to i32
        %cond3A_192 = arith.constant 0 : i32
        %cond3A_193 = arith.cmpi ne, %convert_element_type3A_191, %cond3A_192 : i32
        scf.if %cond3A_193 {
          %dma_wait3A_202 = arith.constant 0 : i32
          %dma_wait3A_203 = arith.constant 0 : i32
          %dma_wait3A_204 = tpu.memref_slice %arg10[%dma_wait3A_202, %dma_wait3A_203] : memref<20x512xi32, #tpu.memory_space<vmem>> -> memref<1x512xi32, #tpu.memory_space<vmem>>
          %dma_wait3A_205 = tpu.memref_squeeze %dma_wait3A_204 : memref<1x512xi32, #tpu.memory_space<vmem>> -> memref<512xi32, #tpu.memory_space<vmem>>
          %dma_wait3A_206 = arith.constant 0 : i32
          %dma_wait3A_207 = arith.constant 0 : i32
          %dma_wait3A_208 = tpu.memref_slice %arg15[%dma_wait3A_206, %dma_wait3A_207] : memref<10240x16xf32, #tpu.memory_space<vmem_shared>> -> memref<10240x16xf32, #tpu.memory_space<vmem_shared>>
          tpu.wait_indirect_dma semaphore(%arg21 : memref<!tpu.dma_semaphore, #tpu.memory_space<semaphore_mem>>) src(%arg12 : memref<512x16xf32, #tpu.memory_space<vmem>>) dst(%dma_wait3A_208 : memref<10240x16xf32, #tpu.memory_space<vmem_shared>>)
          %dma_wait3A_209 = arith.constant 0 : i32
          %dma_wait3A_210 = arith.constant 0 : i32
          %dma_wait3A_211 = tpu.memref_slice %arg10[%dma_wait3A_209, %dma_wait3A_210] : memref<20x512xi32, #tpu.memory_space<vmem>> -> memref<1x512xi32, #tpu.memory_space<vmem>>
          %dma_wait3A_212 = tpu.memref_squeeze %dma_wait3A_211 : memref<1x512xi32, #tpu.memory_space<vmem>> -> memref<512xi32, #tpu.memory_space<vmem>>
          %dma_wait3A_213 = arith.constant 0 : i32
          %dma_wait3A_214 = arith.constant 0 : i32
          %dma_wait3A_215 = tpu.memref_slice %arg25[%dma_wait3A_213, %dma_wait3A_214] : memref<10240x16xf32, #tpu.memory_space<vmem_shared>> -> memref<10240x16xf32, #tpu.memory_space<vmem_shared>>
          tpu.wait_indirect_dma semaphore(%arg21 : memref<!tpu.dma_semaphore, #tpu.memory_space<semaphore_mem>>) src(%arg24 : memref<512x16xf32, #tpu.memory_space<vmem>>) dst(%dma_wait3A_215 : memref<10240x16xf32, #tpu.memory_space<vmem_shared>>)
        } else {
        }
        %add3A_194 = arith.constant 2 : i32
        %add3A_195 = arith.addi %add3A_163, %add3A_194 : i32
        %dma_start3A_196 = arith.constant 0 : i32
        %dma_start3A_197 = tpu.memref_slice %arg9[%add3A_195, %dma_start3A_196] : memref<20x512xi32, #tpu.memory_space<vmem>> -> memref<1x512xi32, #tpu.memory_space<vmem>>
        %dma_start3A_198 = tpu.memref_squeeze %dma_start3A_197 : memref<1x512xi32, #tpu.memory_space<vmem>> -> memref<512xi32, #tpu.memory_space<vmem>>
        %dma_start3A_199 = arith.constant 0 : i32
        %dma_start3A_200 = arith.constant 0 : i32
        %dma_start3A_201 = tpu.memref_slice %arg2[%dma_start3A_199, %dma_start3A_200] : memref<10000x16xf32, #tpu.memory_space<hbm>> -> memref<10000x16xf32, #tpu.memory_space<hbm>>
        tpu.enqueue_indirect_dma source(%dma_start3A_201 : memref<10000x16xf32, #tpu.memory_space<hbm>>) target(%arg12 : memref<512x16xf32, #tpu.memory_space<vmem>>) offsets(%dma_start3A_198 : memref<512xi32, #tpu.memory_space<vmem>>) semaphore(%arg17 : memref<!tpu.dma_semaphore, #tpu.memory_space<semaphore_mem>>)
      } else {
      }
    }
    %scan3A_19 = arith.constant 5 : i32
    %dma_wait3A = arith.constant 0 : i32
    %dma_wait3A_20 = arith.constant 0 : i32
    %dma_wait3A_21 = tpu.memref_slice %arg10[%dma_wait3A, %dma_wait3A_20] : memref<20x512xi32, #tpu.memory_space<vmem>> -> memref<1x512xi32, #tpu.memory_space<vmem>>
    %dma_wait3A_22 = tpu.memref_squeeze %dma_wait3A_21 : memref<1x512xi32, #tpu.memory_space<vmem>> -> memref<512xi32, #tpu.memory_space<vmem>>
    %dma_wait3A_23 = arith.constant 0 : i32
    %dma_wait3A_24 = arith.constant 0 : i32
    %dma_wait3A_25 = tpu.memref_slice %arg15[%dma_wait3A_23, %dma_wait3A_24] : memref<10240x16xf32, #tpu.memory_space<vmem_shared>> -> memref<10240x16xf32, #tpu.memory_space<vmem_shared>>
    tpu.wait_indirect_dma semaphore(%arg20 : memref<!tpu.dma_semaphore, #tpu.memory_space<semaphore_mem>>) src(%arg11 : memref<512x16xf32, #tpu.memory_space<vmem>>) dst(%dma_wait3A_25 : memref<10240x16xf32, #tpu.memory_space<vmem_shared>>)
    %dma_wait3A_26 = arith.constant 0 : i32
    %dma_wait3A_27 = arith.constant 0 : i32
    %dma_wait3A_28 = tpu.memref_slice %arg10[%dma_wait3A_26, %dma_wait3A_27] : memref<20x512xi32, #tpu.memory_space<vmem>> -> memref<1x512xi32, #tpu.memory_space<vmem>>
    %dma_wait3A_29 = tpu.memref_squeeze %dma_wait3A_28 : memref<1x512xi32, #tpu.memory_space<vmem>> -> memref<512xi32, #tpu.memory_space<vmem>>
    %dma_wait3A_30 = arith.constant 0 : i32
    %dma_wait3A_31 = arith.constant 0 : i32
    %dma_wait3A_32 = tpu.memref_slice %arg25[%dma_wait3A_30, %dma_wait3A_31] : memref<10240x16xf32, #tpu.memory_space<vmem_shared>> -> memref<10240x16xf32, #tpu.memory_space<vmem_shared>>
    tpu.wait_indirect_dma semaphore(%arg20 : memref<!tpu.dma_semaphore, #tpu.memory_space<semaphore_mem>>) src(%arg24 : memref<512x16xf32, #tpu.memory_space<vmem>>) dst(%dma_wait3A_32 : memref<10240x16xf32, #tpu.memory_space<vmem_shared>>)
    %dma_wait3A_33 = arith.constant 0 : i32
    %dma_wait3A_34 = arith.constant 0 : i32
    %dma_wait3A_35 = tpu.memref_slice %arg10[%dma_wait3A_33, %dma_wait3A_34] : memref<20x512xi32, #tpu.memory_space<vmem>> -> memref<1x512xi32, #tpu.memory_space<vmem>>
    %dma_wait3A_36 = tpu.memref_squeeze %dma_wait3A_35 : memref<1x512xi32, #tpu.memory_space<vmem>> -> memref<512xi32, #tpu.memory_space<vmem>>
    %dma_wait3A_37 = arith.constant 0 : i32
    %dma_wait3A_38 = arith.constant 0 : i32
    %dma_wait3A_39 = tpu.memref_slice %arg15[%dma_wait3A_37, %dma_wait3A_38] : memref<10240x16xf32, #tpu.memory_space<vmem_shared>> -> memref<10240x16xf32, #tpu.memory_space<vmem_shared>>
    tpu.wait_indirect_dma semaphore(%arg21 : memref<!tpu.dma_semaphore, #tpu.memory_space<semaphore_mem>>) src(%arg12 : memref<512x16xf32, #tpu.memory_space<vmem>>) dst(%dma_wait3A_39 : memref<10240x16xf32, #tpu.memory_space<vmem_shared>>)
    %dma_wait3A_40 = arith.constant 0 : i32
    %dma_wait3A_41 = arith.constant 0 : i32
    %dma_wait3A_42 = tpu.memref_slice %arg10[%dma_wait3A_40, %dma_wait3A_41] : memref<20x512xi32, #tpu.memory_space<vmem>> -> memref<1x512xi32, #tpu.memory_space<vmem>>
    %dma_wait3A_43 = tpu.memref_squeeze %dma_wait3A_42 : memref<1x512xi32, #tpu.memory_space<vmem>> -> memref<512xi32, #tpu.memory_space<vmem>>
    %dma_wait3A_44 = arith.constant 0 : i32
    %dma_wait3A_45 = arith.constant 0 : i32
    %dma_wait3A_46 = tpu.memref_slice %arg25[%dma_wait3A_44, %dma_wait3A_45] : memref<10240x16xf32, #tpu.memory_space<vmem_shared>> -> memref<10240x16xf32, #tpu.memory_space<vmem_shared>>
    tpu.wait_indirect_dma semaphore(%arg21 : memref<!tpu.dma_semaphore, #tpu.memory_space<semaphore_mem>>) src(%arg24 : memref<512x16xf32, #tpu.memory_space<vmem>>) dst(%dma_wait3A_46 : memref<10240x16xf32, #tpu.memory_space<vmem_shared>>)
    %dma_wait3A_47 = arith.constant 0 : i32
    %dma_wait3A_48 = arith.constant 0 : i32
    %dma_wait3A_49 = tpu.memref_slice %arg10[%dma_wait3A_47, %dma_wait3A_48] : memref<20x512xi32, #tpu.memory_space<vmem>> -> memref<1x512xi32, #tpu.memory_space<vmem>>
    %dma_wait3A_50 = tpu.memref_squeeze %dma_wait3A_49 : memref<1x512xi32, #tpu.memory_space<vmem>> -> memref<512xi32, #tpu.memory_space<vmem>>
    %dma_wait3A_51 = arith.constant 0 : i32
    %dma_wait3A_52 = arith.constant 0 : i32
    %dma_wait3A_53 = tpu.memref_slice %arg15[%dma_wait3A_51, %dma_wait3A_52] : memref<10240x16xf32, #tpu.memory_space<vmem_shared>> -> memref<10240x16xf32, #tpu.memory_space<vmem_shared>>
    tpu.wait_indirect_dma semaphore(%arg22 : memref<!tpu.dma_semaphore, #tpu.memory_space<semaphore_mem>>) src(%arg13 : memref<512x16xf32, #tpu.memory_space<vmem>>) dst(%dma_wait3A_53 : memref<10240x16xf32, #tpu.memory_space<vmem_shared>>)
    %dma_wait3A_54 = arith.constant 0 : i32
    %dma_wait3A_55 = arith.constant 0 : i32
    %dma_wait3A_56 = tpu.memref_slice %arg10[%dma_wait3A_54, %dma_wait3A_55] : memref<20x512xi32, #tpu.memory_space<vmem>> -> memref<1x512xi32, #tpu.memory_space<vmem>>
    %dma_wait3A_57 = tpu.memref_squeeze %dma_wait3A_56 : memref<1x512xi32, #tpu.memory_space<vmem>> -> memref<512xi32, #tpu.memory_space<vmem>>
    %dma_wait3A_58 = arith.constant 0 : i32
    %dma_wait3A_59 = arith.constant 0 : i32
    %dma_wait3A_60 = tpu.memref_slice %arg25[%dma_wait3A_58, %dma_wait3A_59] : memref<10240x16xf32, #tpu.memory_space<vmem_shared>> -> memref<10240x16xf32, #tpu.memory_space<vmem_shared>>
    tpu.wait_indirect_dma semaphore(%arg22 : memref<!tpu.dma_semaphore, #tpu.memory_space<semaphore_mem>>) src(%arg24 : memref<512x16xf32, #tpu.memory_space<vmem>>) dst(%dma_wait3A_60 : memref<10240x16xf32, #tpu.memory_space<vmem_shared>>)
    %dma_wait3A_61 = arith.constant 0 : i32
    %dma_wait3A_62 = arith.constant 0 : i32
    %dma_wait3A_63 = tpu.memref_slice %arg10[%dma_wait3A_61, %dma_wait3A_62] : memref<20x512xi32, #tpu.memory_space<vmem>> -> memref<1x512xi32, #tpu.memory_space<vmem>>
    %dma_wait3A_64 = tpu.memref_squeeze %dma_wait3A_63 : memref<1x512xi32, #tpu.memory_space<vmem>> -> memref<512xi32, #tpu.memory_space<vmem>>
    %dma_wait3A_65 = arith.constant 0 : i32
    %dma_wait3A_66 = arith.constant 0 : i32
    %dma_wait3A_67 = tpu.memref_slice %arg15[%dma_wait3A_65, %dma_wait3A_66] : memref<10240x16xf32, #tpu.memory_space<vmem_shared>> -> memref<10240x16xf32, #tpu.memory_space<vmem_shared>>
    tpu.wait_indirect_dma semaphore(%arg23 : memref<!tpu.dma_semaphore, #tpu.memory_space<semaphore_mem>>) src(%arg14 : memref<512x16xf32, #tpu.memory_space<vmem>>) dst(%dma_wait3A_67 : memref<10240x16xf32, #tpu.memory_space<vmem_shared>>)
    %dma_wait3A_68 = arith.constant 0 : i32
    %dma_wait3A_69 = arith.constant 0 : i32
    %dma_wait3A_70 = tpu.memref_slice %arg10[%dma_wait3A_68, %dma_wait3A_69] : memref<20x512xi32, #tpu.memory_space<vmem>> -> memref<1x512xi32, #tpu.memory_space<vmem>>
    %dma_wait3A_71 = tpu.memref_squeeze %dma_wait3A_70 : memref<1x512xi32, #tpu.memory_space<vmem>> -> memref<512xi32, #tpu.memory_space<vmem>>
    %dma_wait3A_72 = arith.constant 0 : i32
    %dma_wait3A_73 = arith.constant 0 : i32
    %dma_wait3A_74 = tpu.memref_slice %arg25[%dma_wait3A_72, %dma_wait3A_73] : memref<10240x16xf32, #tpu.memory_space<vmem_shared>> -> memref<10240x16xf32, #tpu.memory_space<vmem_shared>>
    tpu.wait_indirect_dma semaphore(%arg23 : memref<!tpu.dma_semaphore, #tpu.memory_space<semaphore_mem>>) src(%arg24 : memref<512x16xf32, #tpu.memory_space<vmem>>) dst(%dma_wait3A_74 : memref<10240x16xf32, #tpu.memory_space<vmem_shared>>)
    %barrier3A_75 = arith.constant 0 : index
    tpu.barrier barrier_id(%barrier3A_75)
    "tpu.region"() ({
      %run_scoped3A = tpu.sem_alloc : memref<!tpu.dma_semaphore, #tpu.memory_space<semaphore_mem>>
      %dma_start3A_76 = arith.constant 0 : i32
      %dma_start3A_77 = tpu.memref_slice %arg7[%arg0, %mul3A_2, %dma_start3A_76] : memref<2x10240x16xf32, #tpu.memory_space<hbm>> -> memref<1x640x16xf32, #tpu.memory_space<hbm>>
      %dma_start3A_78 = tpu.memref_squeeze %dma_start3A_77 : memref<1x640x16xf32, #tpu.memory_space<hbm>> -> memref<640x16xf32, #tpu.memory_space<hbm>>
      %dma_start3A_79 = arith.constant 0 : i32
      %dma_start3A_80 = tpu.memref_slice %arg15[%mul3A_2, %dma_start3A_79] : memref<10240x16xf32, #tpu.memory_space<vmem_shared>> -> memref<640x16xf32, #tpu.memory_space<vmem_shared>>
      tpu.enqueue_dma source(%dma_start3A_80 : memref<640x16xf32, #tpu.memory_space<vmem_shared>>) target(%dma_start3A_78 : memref<640x16xf32, #tpu.memory_space<hbm>>) target_semaphore(%run_scoped3A : memref<!tpu.dma_semaphore, #tpu.memory_space<semaphore_mem>>)
      %dma_wait3A_81 = arith.constant 0 : i32
      %dma_wait3A_82 = tpu.memref_slice %arg7[%arg0, %mul3A_2, %dma_wait3A_81] : memref<2x10240x16xf32, #tpu.memory_space<hbm>> -> memref<1x640x16xf32, #tpu.memory_space<hbm>>
      %dma_wait3A_83 = tpu.memref_squeeze %dma_wait3A_82 : memref<1x640x16xf32, #tpu.memory_space<hbm>> -> memref<640x16xf32, #tpu.memory_space<hbm>>
      %dma_wait3A_84 = arith.constant 0 : i32
      %dma_wait3A_85 = tpu.memref_slice %arg15[%mul3A_2, %dma_wait3A_84] : memref<10240x16xf32, #tpu.memory_space<vmem_shared>> -> memref<640x16xf32, #tpu.memory_space<vmem_shared>>
      tpu.wait_dma2 semaphore(%run_scoped3A : memref<!tpu.dma_semaphore, #tpu.memory_space<semaphore_mem>>) src(%dma_wait3A_85 : memref<640x16xf32, #tpu.memory_space<vmem_shared>>) dst(%dma_wait3A_83 : memref<640x16xf32, #tpu.memory_space<hbm>>)
      tpu.yield
    }) : () -> ()
    "tpu.region"() ({
      %run_scoped3A = tpu.sem_alloc : memref<!tpu.dma_semaphore, #tpu.memory_space<semaphore_mem>>
      %dma_start3A_76 = arith.constant 0 : i32
      %dma_start3A_77 = tpu.memref_slice %arg8[%arg0, %mul3A_2, %dma_start3A_76] : memref<2x10240x16xf32, #tpu.memory_space<hbm>> -> memref<1x640x16xf32, #tpu.memory_space<hbm>>
      %dma_start3A_78 = tpu.memref_squeeze %dma_start3A_77 : memref<1x640x16xf32, #tpu.memory_space<hbm>> -> memref<640x16xf32, #tpu.memory_space<hbm>>
      %dma_start3A_79 = arith.constant 0 : i32
      %dma_start3A_80 = tpu.memref_slice %arg25[%mul3A_2, %dma_start3A_79] : memref<10240x16xf32, #tpu.memory_space<vmem_shared>> -> memref<640x16xf32, #tpu.memory_space<vmem_shared>>
      tpu.enqueue_dma source(%dma_start3A_80 : memref<640x16xf32, #tpu.memory_space<vmem_shared>>) target(%dma_start3A_78 : memref<640x16xf32, #tpu.memory_space<hbm>>) target_semaphore(%run_scoped3A : memref<!tpu.dma_semaphore, #tpu.memory_space<semaphore_mem>>)
      %dma_wait3A_81 = arith.constant 0 : i32
      %dma_wait3A_82 = tpu.memref_slice %arg8[%arg0, %mul3A_2, %dma_wait3A_81] : memref<2x10240x16xf32, #tpu.memory_space<hbm>> -> memref<1x640x16xf32, #tpu.memory_space<hbm>>
      %dma_wait3A_83 = tpu.memref_squeeze %dma_wait3A_82 : memref<1x640x16xf32, #tpu.memory_space<hbm>> -> memref<640x16xf32, #tpu.memory_space<hbm>>
      %dma_wait3A_84 = arith.constant 0 : i32
      %dma_wait3A_85 = tpu.memref_slice %arg25[%mul3A_2, %dma_wait3A_84] : memref<10240x16xf32, #tpu.memory_space<vmem_shared>> -> memref<640x16xf32, #tpu.memory_space<vmem_shared>>
      tpu.wait_dma2 semaphore(%run_scoped3A : memref<!tpu.dma_semaphore, #tpu.memory_space<semaphore_mem>>) src(%dma_wait3A_85 : memref<640x16xf32, #tpu.memory_space<vmem_shared>>) dst(%dma_wait3A_83 : memref<640x16xf32, #tpu.memory_space<hbm>>)
      tpu.yield
    }) : () -> ()
    return
  }
}

#map = affine_map<(d0, d1) -> (0, 0)>
#map1 = affine_map<(d0, d1) -> (0, 0, 0)>
module attributes {stable_mosaic.version = 14 : i64} {
  func.func @body(%arg0: i32, %arg1: i32, %arg2: memref<10000x16xf32, #tpu.memory_space<hbm>>, %arg3: memref<32x20x512xi32, #tpu.memory_space<hbm>>, %arg4: memref<32x20x512xi32, #tpu.memory_space<hbm>>, %arg5: memref<10240x16xf32, #tpu.memory_space<hbm>>, %arg6: memref<512x16xf32, #tpu.memory_space<hbm>>, %arg7: memref<2x10240x16xf32, #tpu.memory_space<hbm>>, %arg8: memref<20x512xi32, #tpu.memory_space<vmem>>, %arg9: memref<20x512xi32, #tpu.memory_space<vmem>>, %arg10: memref<512x16xf32, #tpu.memory_space<vmem>>, %arg11: memref<512x16xf32, #tpu.memory_space<vmem>>, %arg12: memref<512x16xf32, #tpu.memory_space<vmem>>, %arg13: memref<512x16xf32, #tpu.memory_space<vmem>>, %arg14: memref<10240x16xf32, #tpu.memory_space<vmem_shared>>, %arg15: memref<!tpu.dma_semaphore, #tpu.memory_space<semaphore_mem>>, %arg16: memref<!tpu.dma_semaphore, #tpu.memory_space<semaphore_mem>>, %arg17: memref<!tpu.dma_semaphore, #tpu.memory_space<semaphore_mem>>, %arg18: memref<!tpu.dma_semaphore, #tpu.memory_space<semaphore_mem>>, %arg19: memref<!tpu.dma_semaphore, #tpu.memory_space<semaphore_mem>>, %arg20: memref<!tpu.dma_semaphore, #tpu.memory_space<semaphore_mem>>, %arg21: memref<!tpu.dma_semaphore, #tpu.memory_space<semaphore_mem>>, %arg22: memref<!tpu.dma_semaphore, #tpu.memory_space<semaphore_mem>>) attributes {dimension_semantics = [#tpu.dimension_semantics<core_parallel>, #tpu.dimension_semantics<subcore_parallel>], iteration_bounds = array<i64: 2, 16>, scalar_prefetch = 0 : i64, scratch_operands = 15 : i64, tpu.core_type = #tpu.core_type<sc_vector_subcore>, window_params = [{transform_indices = #map}, {transform_indices = #map1}, {transform_indices = #map1}, {transform_indices = #map}, {transform_indices = #map}, {transform_indices = #map1}]} {
    %mul3A = arith.constant 16 : i32
    %mul3A_0 = arith.muli %arg0, %mul3A : i32
    %add3A = arith.addi %mul3A_0, %arg1 : i32
    %mul3A_1 = arith.constant 640 : i32
    %mul3A_2 = arith.muli %arg1, %mul3A_1 : i32
    "tpu.region"() ({
      %run_scoped3A = tpu.sem_alloc : memref<!tpu.dma_semaphore, #tpu.memory_space<semaphore_mem>>
      %dma_start3A_48 = arith.constant 0 : i32
      %dma_start3A_49 = tpu.memref_slice %arg14[%mul3A_2, %dma_start3A_48] : memref<10240x16xf32, #tpu.memory_space<vmem_shared>> -> memref<640x16xf32, #tpu.memory_space<vmem_shared>>
      %dma_start3A_50 = arith.constant 0 : i32
      %dma_start3A_51 = tpu.memref_slice %arg5[%mul3A_2, %dma_start3A_50] : memref<10240x16xf32, #tpu.memory_space<hbm>> -> memref<640x16xf32, #tpu.memory_space<hbm>>
      tpu.enqueue_dma source(%dma_start3A_51 : memref<640x16xf32, #tpu.memory_space<hbm>>) target(%dma_start3A_49 : memref<640x16xf32, #tpu.memory_space<vmem_shared>>) target_semaphore(%run_scoped3A : memref<!tpu.dma_semaphore, #tpu.memory_space<semaphore_mem>>)
      %dma_wait3A_52 = arith.constant 0 : i32
      %dma_wait3A_53 = tpu.memref_slice %arg14[%mul3A_2, %dma_wait3A_52] : memref<10240x16xf32, #tpu.memory_space<vmem_shared>> -> memref<640x16xf32, #tpu.memory_space<vmem_shared>>
      %dma_wait3A_54 = arith.constant 0 : i32
      %dma_wait3A_55 = tpu.memref_slice %arg5[%mul3A_2, %dma_wait3A_54] : memref<10240x16xf32, #tpu.memory_space<hbm>> -> memref<640x16xf32, #tpu.memory_space<hbm>>
      tpu.wait_dma2 semaphore(%run_scoped3A : memref<!tpu.dma_semaphore, #tpu.memory_space<semaphore_mem>>) src(%dma_wait3A_55 : memref<640x16xf32, #tpu.memory_space<hbm>>) dst(%dma_wait3A_53 : memref<640x16xf32, #tpu.memory_space<vmem_shared>>)
      tpu.yield
    }) : () -> ()
    "tpu.region"() ({
      %run_scoped3A = tpu.sem_alloc : memref<!tpu.dma_semaphore, #tpu.memory_space<semaphore_mem>>
      %dma_start3A_48 = arith.constant 0 : i32
      %dma_start3A_49 = arith.constant 0 : i32
      %dma_start3A_50 = tpu.memref_slice %arg3[%add3A, %dma_start3A_48, %dma_start3A_49] : memref<32x20x512xi32, #tpu.memory_space<hbm>> -> memref<1x20x512xi32, #tpu.memory_space<hbm>>
      %dma_start3A_51 = tpu.memref_squeeze %dma_start3A_50 : memref<1x20x512xi32, #tpu.memory_space<hbm>> -> memref<20x512xi32, #tpu.memory_space<hbm>>
      %dma_start3A_52 = arith.constant 0 : i32
      %dma_start3A_53 = arith.constant 0 : i32
      %dma_start3A_54 = tpu.memref_slice %arg3[%add3A, %dma_start3A_52, %dma_start3A_53] : memref<32x20x512xi32, #tpu.memory_space<hbm>> -> memref<1x20x512xi32, #tpu.memory_space<hbm>>
      %dma_start3A_55 = tpu.memref_squeeze %dma_start3A_54 : memref<1x20x512xi32, #tpu.memory_space<hbm>> -> memref<20x512xi32, #tpu.memory_space<hbm>>
      tpu.enqueue_dma source(%dma_start3A_55 : memref<20x512xi32, #tpu.memory_space<hbm>>) target(%arg8 : memref<20x512xi32, #tpu.memory_space<vmem>>) target_semaphore(%run_scoped3A : memref<!tpu.dma_semaphore, #tpu.memory_space<semaphore_mem>>)
      %dma_wait3A_56 = arith.constant 0 : i32
      %dma_wait3A_57 = arith.constant 0 : i32
      %dma_wait3A_58 = tpu.memref_slice %arg3[%add3A, %dma_wait3A_56, %dma_wait3A_57] : memref<32x20x512xi32, #tpu.memory_space<hbm>> -> memref<1x20x512xi32, #tpu.memory_space<hbm>>
      %dma_wait3A_59 = tpu.memref_squeeze %dma_wait3A_58 : memref<1x20x512xi32, #tpu.memory_space<hbm>> -> memref<20x512xi32, #tpu.memory_space<hbm>>
      %dma_wait3A_60 = arith.constant 0 : i32
      %dma_wait3A_61 = arith.constant 0 : i32
      %dma_wait3A_62 = tpu.memref_slice %arg3[%add3A, %dma_wait3A_60, %dma_wait3A_61] : memref<32x20x512xi32, #tpu.memory_space<hbm>> -> memref<1x20x512xi32, #tpu.memory_space<hbm>>
      %dma_wait3A_63 = tpu.memref_squeeze %dma_wait3A_62 : memref<1x20x512xi32, #tpu.memory_space<hbm>> -> memref<20x512xi32, #tpu.memory_space<hbm>>
      tpu.wait_dma2 semaphore(%run_scoped3A : memref<!tpu.dma_semaphore, #tpu.memory_space<semaphore_mem>>) src(%dma_wait3A_63 : memref<20x512xi32, #tpu.memory_space<hbm>>) dst(%arg8 : memref<20x512xi32, #tpu.memory_space<vmem>>)
      tpu.yield
    }) : () -> ()
    "tpu.region"() ({
      %run_scoped3A = tpu.sem_alloc : memref<!tpu.dma_semaphore, #tpu.memory_space<semaphore_mem>>
      %dma_start3A_48 = arith.constant 0 : i32
      %dma_start3A_49 = arith.constant 0 : i32
      %dma_start3A_50 = tpu.memref_slice %arg4[%add3A, %dma_start3A_48, %dma_start3A_49] : memref<32x20x512xi32, #tpu.memory_space<hbm>> -> memref<1x20x512xi32, #tpu.memory_space<hbm>>
      %dma_start3A_51 = tpu.memref_squeeze %dma_start3A_50 : memref<1x20x512xi32, #tpu.memory_space<hbm>> -> memref<20x512xi32, #tpu.memory_space<hbm>>
      %dma_start3A_52 = arith.constant 0 : i32
      %dma_start3A_53 = arith.constant 0 : i32
      %dma_start3A_54 = tpu.memref_slice %arg4[%add3A, %dma_start3A_52, %dma_start3A_53] : memref<32x20x512xi32, #tpu.memory_space<hbm>> -> memref<1x20x512xi32, #tpu.memory_space<hbm>>
      %dma_start3A_55 = tpu.memref_squeeze %dma_start3A_54 : memref<1x20x512xi32, #tpu.memory_space<hbm>> -> memref<20x512xi32, #tpu.memory_space<hbm>>
      tpu.enqueue_dma source(%dma_start3A_55 : memref<20x512xi32, #tpu.memory_space<hbm>>) target(%arg9 : memref<20x512xi32, #tpu.memory_space<vmem>>) target_semaphore(%run_scoped3A : memref<!tpu.dma_semaphore, #tpu.memory_space<semaphore_mem>>)
      %dma_wait3A_56 = arith.constant 0 : i32
      %dma_wait3A_57 = arith.constant 0 : i32
      %dma_wait3A_58 = tpu.memref_slice %arg4[%add3A, %dma_wait3A_56, %dma_wait3A_57] : memref<32x20x512xi32, #tpu.memory_space<hbm>> -> memref<1x20x512xi32, #tpu.memory_space<hbm>>
      %dma_wait3A_59 = tpu.memref_squeeze %dma_wait3A_58 : memref<1x20x512xi32, #tpu.memory_space<hbm>> -> memref<20x512xi32, #tpu.memory_space<hbm>>
      %dma_wait3A_60 = arith.constant 0 : i32
      %dma_wait3A_61 = arith.constant 0 : i32
      %dma_wait3A_62 = tpu.memref_slice %arg4[%add3A, %dma_wait3A_60, %dma_wait3A_61] : memref<32x20x512xi32, #tpu.memory_space<hbm>> -> memref<1x20x512xi32, #tpu.memory_space<hbm>>
      %dma_wait3A_63 = tpu.memref_squeeze %dma_wait3A_62 : memref<1x20x512xi32, #tpu.memory_space<hbm>> -> memref<20x512xi32, #tpu.memory_space<hbm>>
      tpu.wait_dma2 semaphore(%run_scoped3A : memref<!tpu.dma_semaphore, #tpu.memory_space<semaphore_mem>>) src(%dma_wait3A_63 : memref<20x512xi32, #tpu.memory_space<hbm>>) dst(%arg9 : memref<20x512xi32, #tpu.memory_space<vmem>>)
      tpu.yield
    }) : () -> ()
    %barrier3A = arith.constant 0 : index
    tpu.barrier barrier_id(%barrier3A)
    %dma_start3A = arith.constant 0 : i32
    %dma_start3A_3 = arith.constant 0 : i32
    %dma_start3A_4 = tpu.memref_slice %arg8[%dma_start3A, %dma_start3A_3] : memref<20x512xi32, #tpu.memory_space<vmem>> -> memref<1x512xi32, #tpu.memory_space<vmem>>
    %dma_start3A_5 = tpu.memref_squeeze %dma_start3A_4 : memref<1x512xi32, #tpu.memory_space<vmem>> -> memref<512xi32, #tpu.memory_space<vmem>>
    %dma_start3A_6 = arith.constant 0 : i32
    %dma_start3A_7 = arith.constant 0 : i32
    %dma_start3A_8 = tpu.memref_slice %arg2[%dma_start3A_6, %dma_start3A_7] : memref<10000x16xf32, #tpu.memory_space<hbm>> -> memref<10000x16xf32, #tpu.memory_space<hbm>>
    tpu.enqueue_indirect_dma source(%dma_start3A_8 : memref<10000x16xf32, #tpu.memory_space<hbm>>) target(%arg10 : memref<512x16xf32, #tpu.memory_space<vmem>>) offsets(%dma_start3A_5 : memref<512xi32, #tpu.memory_space<vmem>>) semaphore(%arg15 : memref<!tpu.dma_semaphore, #tpu.memory_space<semaphore_mem>>)
    %dma_start3A_9 = arith.constant 1 : i32
    %dma_start3A_10 = arith.constant 0 : i32
    %dma_start3A_11 = tpu.memref_slice %arg8[%dma_start3A_9, %dma_start3A_10] : memref<20x512xi32, #tpu.memory_space<vmem>> -> memref<1x512xi32, #tpu.memory_space<vmem>>
    %dma_start3A_12 = tpu.memref_squeeze %dma_start3A_11 : memref<1x512xi32, #tpu.memory_space<vmem>> -> memref<512xi32, #tpu.memory_space<vmem>>
    %dma_start3A_13 = arith.constant 0 : i32
    %dma_start3A_14 = arith.constant 0 : i32
    %dma_start3A_15 = tpu.memref_slice %arg2[%dma_start3A_13, %dma_start3A_14] : memref<10000x16xf32, #tpu.memory_space<hbm>> -> memref<10000x16xf32, #tpu.memory_space<hbm>>
    tpu.enqueue_indirect_dma source(%dma_start3A_15 : memref<10000x16xf32, #tpu.memory_space<hbm>>) target(%arg11 : memref<512x16xf32, #tpu.memory_space<vmem>>) offsets(%dma_start3A_12 : memref<512xi32, #tpu.memory_space<vmem>>) semaphore(%arg16 : memref<!tpu.dma_semaphore, #tpu.memory_space<semaphore_mem>>)
    %scan3A = arith.constant 0 : i32
    %scan3A_16 = arith.constant 5 : i32
    %scan3A_17 = arith.addi %scan3A, %scan3A_16 : i32
    %scan3A_18 = arith.constant 1 : i32
    scf.for %scan3A_48 = %scan3A to %scan3A_17 step %scan3A_18  : i32 {
      %mul3A_49 = arith.constant 4 : i32
      %mul3A_50 = arith.muli %scan3A_48, %mul3A_49 : i32
      %add3A_51 = arith.constant 0 : i32
      %add3A_52 = arith.addi %add3A_51, %mul3A_50 : i32
      %add3A_53 = arith.constant 0 : i32
      %add3A_54 = arith.addi %add3A_52, %add3A_53 : i32
      %dma_wait3A_55 = arith.constant 0 : i32
      %dma_wait3A_56 = arith.constant 0 : i32
      %dma_wait3A_57 = tpu.memref_slice %arg8[%dma_wait3A_55, %dma_wait3A_56] : memref<20x512xi32, #tpu.memory_space<vmem>> -> memref<1x512xi32, #tpu.memory_space<vmem>>
      %dma_wait3A_58 = tpu.memref_squeeze %dma_wait3A_57 : memref<1x512xi32, #tpu.memory_space<vmem>> -> memref<512xi32, #tpu.memory_space<vmem>>
      %dma_wait3A_59 = arith.constant 0 : i32
      %dma_wait3A_60 = arith.constant 0 : i32
      %dma_wait3A_61 = tpu.memref_slice %arg2[%dma_wait3A_59, %dma_wait3A_60] : memref<10000x16xf32, #tpu.memory_space<hbm>> -> memref<10000x16xf32, #tpu.memory_space<hbm>>
      tpu.wait_indirect_dma semaphore(%arg15 : memref<!tpu.dma_semaphore, #tpu.memory_space<semaphore_mem>>) src(%dma_wait3A_61 : memref<10000x16xf32, #tpu.memory_space<hbm>>) dst(%arg10 : memref<512x16xf32, #tpu.memory_space<vmem>>)
      %dma_start3A_62 = arith.constant 0 : i32
      %dma_start3A_63 = tpu.memref_slice %arg9[%add3A_54, %dma_start3A_62] : memref<20x512xi32, #tpu.memory_space<vmem>> -> memref<1x512xi32, #tpu.memory_space<vmem>>
      %dma_start3A_64 = tpu.memref_squeeze %dma_start3A_63 : memref<1x512xi32, #tpu.memory_space<vmem>> -> memref<512xi32, #tpu.memory_space<vmem>>
      %dma_start3A_65 = arith.constant 0 : i32
      %dma_start3A_66 = arith.constant 0 : i32
      %dma_start3A_67 = tpu.memref_slice %arg14[%dma_start3A_65, %dma_start3A_66] : memref<10240x16xf32, #tpu.memory_space<vmem_shared>> -> memref<10240x16xf32, #tpu.memory_space<vmem_shared>>
      tpu.enqueue_indirect_dma source(%arg10 : memref<512x16xf32, #tpu.memory_space<vmem>>) target(%dma_start3A_67 : memref<10240x16xf32, #tpu.memory_space<vmem_shared>>) offsets(%dma_start3A_64 : memref<512xi32, #tpu.memory_space<vmem>>) semaphore(%arg19 : memref<!tpu.dma_semaphore, #tpu.memory_space<semaphore_mem>>) {add = true}
      %add3A_68 = arith.constant 2 : i32
      %add3A_69 = arith.addi %add3A_54, %add3A_68 : i32
      %lt3A = arith.constant 20 : i32
      %lt3A_70 = arith.cmpi slt, %add3A_69, %lt3A : i32
      %convert_element_type3A = arith.extui %lt3A_70 : i1 to i32
      %cond3A = arith.constant 0 : i32
      %cond3A_71 = arith.cmpi ne, %convert_element_type3A, %cond3A : i32
      scf.if %cond3A_71 {
        %ge3A = arith.constant 2 : i32
        %ge3A_138 = arith.cmpi sge, %add3A_54, %ge3A : i32
        %convert_element_type3A_139 = arith.extui %ge3A_138 : i1 to i32
        %cond3A_140 = arith.constant 0 : i32
        %cond3A_141 = arith.cmpi ne, %convert_element_type3A_139, %cond3A_140 : i32
        scf.if %cond3A_141 {
          %dma_wait3A_150 = arith.constant 0 : i32
          %dma_wait3A_151 = arith.constant 0 : i32
          %dma_wait3A_152 = tpu.memref_slice %arg9[%dma_wait3A_150, %dma_wait3A_151] : memref<20x512xi32, #tpu.memory_space<vmem>> -> memref<1x512xi32, #tpu.memory_space<vmem>>
          %dma_wait3A_153 = tpu.memref_squeeze %dma_wait3A_152 : memref<1x512xi32, #tpu.memory_space<vmem>> -> memref<512xi32, #tpu.memory_space<vmem>>
          %dma_wait3A_154 = arith.constant 0 : i32
          %dma_wait3A_155 = arith.constant 0 : i32
          %dma_wait3A_156 = tpu.memref_slice %arg14[%dma_wait3A_154, %dma_wait3A_155] : memref<10240x16xf32, #tpu.memory_space<vmem_shared>> -> memref<10240x16xf32, #tpu.memory_space<vmem_shared>>
          tpu.wait_indirect_dma semaphore(%arg21 : memref<!tpu.dma_semaphore, #tpu.memory_space<semaphore_mem>>) src(%arg12 : memref<512x16xf32, #tpu.memory_space<vmem>>) dst(%dma_wait3A_156 : memref<10240x16xf32, #tpu.memory_space<vmem_shared>>)
        } else {
        }
        %add3A_142 = arith.constant 2 : i32
        %add3A_143 = arith.addi %add3A_54, %add3A_142 : i32
        %dma_start3A_144 = arith.constant 0 : i32
        %dma_start3A_145 = tpu.memref_slice %arg8[%add3A_143, %dma_start3A_144] : memref<20x512xi32, #tpu.memory_space<vmem>> -> memref<1x512xi32, #tpu.memory_space<vmem>>
        %dma_start3A_146 = tpu.memref_squeeze %dma_start3A_145 : memref<1x512xi32, #tpu.memory_space<vmem>> -> memref<512xi32, #tpu.memory_space<vmem>>
        %dma_start3A_147 = arith.constant 0 : i32
        %dma_start3A_148 = arith.constant 0 : i32
        %dma_start3A_149 = tpu.memref_slice %arg2[%dma_start3A_147, %dma_start3A_148] : memref<10000x16xf32, #tpu.memory_space<hbm>> -> memref<10000x16xf32, #tpu.memory_space<hbm>>
        tpu.enqueue_indirect_dma source(%dma_start3A_149 : memref<10000x16xf32, #tpu.memory_space<hbm>>) target(%arg12 : memref<512x16xf32, #tpu.memory_space<vmem>>) offsets(%dma_start3A_146 : memref<512xi32, #tpu.memory_space<vmem>>) semaphore(%arg17 : memref<!tpu.dma_semaphore, #tpu.memory_space<semaphore_mem>>)
      } else {
      }
      %add3A_72 = arith.constant 1 : i32
      %add3A_73 = arith.addi %add3A_52, %add3A_72 : i32
      %dma_wait3A_74 = arith.constant 0 : i32
      %dma_wait3A_75 = arith.constant 0 : i32
      %dma_wait3A_76 = tpu.memref_slice %arg8[%dma_wait3A_74, %dma_wait3A_75] : memref<20x512xi32, #tpu.memory_space<vmem>> -> memref<1x512xi32, #tpu.memory_space<vmem>>
      %dma_wait3A_77 = tpu.memref_squeeze %dma_wait3A_76 : memref<1x512xi32, #tpu.memory_space<vmem>> -> memref<512xi32, #tpu.memory_space<vmem>>
      %dma_wait3A_78 = arith.constant 0 : i32
      %dma_wait3A_79 = arith.constant 0 : i32
      %dma_wait3A_80 = tpu.memref_slice %arg2[%dma_wait3A_78, %dma_wait3A_79] : memref<10000x16xf32, #tpu.memory_space<hbm>> -> memref<10000x16xf32, #tpu.memory_space<hbm>>
      tpu.wait_indirect_dma semaphore(%arg16 : memref<!tpu.dma_semaphore, #tpu.memory_space<semaphore_mem>>) src(%dma_wait3A_80 : memref<10000x16xf32, #tpu.memory_space<hbm>>) dst(%arg11 : memref<512x16xf32, #tpu.memory_space<vmem>>)
      %dma_start3A_81 = arith.constant 0 : i32
      %dma_start3A_82 = tpu.memref_slice %arg9[%add3A_73, %dma_start3A_81] : memref<20x512xi32, #tpu.memory_space<vmem>> -> memref<1x512xi32, #tpu.memory_space<vmem>>
      %dma_start3A_83 = tpu.memref_squeeze %dma_start3A_82 : memref<1x512xi32, #tpu.memory_space<vmem>> -> memref<512xi32, #tpu.memory_space<vmem>>
      %dma_start3A_84 = arith.constant 0 : i32
      %dma_start3A_85 = arith.constant 0 : i32
      %dma_start3A_86 = tpu.memref_slice %arg14[%dma_start3A_84, %dma_start3A_85] : memref<10240x16xf32, #tpu.memory_space<vmem_shared>> -> memref<10240x16xf32, #tpu.memory_space<vmem_shared>>
      tpu.enqueue_indirect_dma source(%arg11 : memref<512x16xf32, #tpu.memory_space<vmem>>) target(%dma_start3A_86 : memref<10240x16xf32, #tpu.memory_space<vmem_shared>>) offsets(%dma_start3A_83 : memref<512xi32, #tpu.memory_space<vmem>>) semaphore(%arg20 : memref<!tpu.dma_semaphore, #tpu.memory_space<semaphore_mem>>) {add = true}
      %add3A_87 = arith.constant 2 : i32
      %add3A_88 = arith.addi %add3A_73, %add3A_87 : i32
      %lt3A_89 = arith.constant 20 : i32
      %lt3A_90 = arith.cmpi slt, %add3A_88, %lt3A_89 : i32
      %convert_element_type3A_91 = arith.extui %lt3A_90 : i1 to i32
      %cond3A_92 = arith.constant 0 : i32
      %cond3A_93 = arith.cmpi ne, %convert_element_type3A_91, %cond3A_92 : i32
      scf.if %cond3A_93 {
        %ge3A = arith.constant 2 : i32
        %ge3A_138 = arith.cmpi sge, %add3A_73, %ge3A : i32
        %convert_element_type3A_139 = arith.extui %ge3A_138 : i1 to i32
        %cond3A_140 = arith.constant 0 : i32
        %cond3A_141 = arith.cmpi ne, %convert_element_type3A_139, %cond3A_140 : i32
        scf.if %cond3A_141 {
          %dma_wait3A_150 = arith.constant 0 : i32
          %dma_wait3A_151 = arith.constant 0 : i32
          %dma_wait3A_152 = tpu.memref_slice %arg9[%dma_wait3A_150, %dma_wait3A_151] : memref<20x512xi32, #tpu.memory_space<vmem>> -> memref<1x512xi32, #tpu.memory_space<vmem>>
          %dma_wait3A_153 = tpu.memref_squeeze %dma_wait3A_152 : memref<1x512xi32, #tpu.memory_space<vmem>> -> memref<512xi32, #tpu.memory_space<vmem>>
          %dma_wait3A_154 = arith.constant 0 : i32
          %dma_wait3A_155 = arith.constant 0 : i32
          %dma_wait3A_156 = tpu.memref_slice %arg14[%dma_wait3A_154, %dma_wait3A_155] : memref<10240x16xf32, #tpu.memory_space<vmem_shared>> -> memref<10240x16xf32, #tpu.memory_space<vmem_shared>>
          tpu.wait_indirect_dma semaphore(%arg22 : memref<!tpu.dma_semaphore, #tpu.memory_space<semaphore_mem>>) src(%arg13 : memref<512x16xf32, #tpu.memory_space<vmem>>) dst(%dma_wait3A_156 : memref<10240x16xf32, #tpu.memory_space<vmem_shared>>)
        } else {
        }
        %add3A_142 = arith.constant 2 : i32
        %add3A_143 = arith.addi %add3A_73, %add3A_142 : i32
        %dma_start3A_144 = arith.constant 0 : i32
        %dma_start3A_145 = tpu.memref_slice %arg8[%add3A_143, %dma_start3A_144] : memref<20x512xi32, #tpu.memory_space<vmem>> -> memref<1x512xi32, #tpu.memory_space<vmem>>
        %dma_start3A_146 = tpu.memref_squeeze %dma_start3A_145 : memref<1x512xi32, #tpu.memory_space<vmem>> -> memref<512xi32, #tpu.memory_space<vmem>>
        %dma_start3A_147 = arith.constant 0 : i32
        %dma_start3A_148 = arith.constant 0 : i32
        %dma_start3A_149 = tpu.memref_slice %arg2[%dma_start3A_147, %dma_start3A_148] : memref<10000x16xf32, #tpu.memory_space<hbm>> -> memref<10000x16xf32, #tpu.memory_space<hbm>>
        tpu.enqueue_indirect_dma source(%dma_start3A_149 : memref<10000x16xf32, #tpu.memory_space<hbm>>) target(%arg13 : memref<512x16xf32, #tpu.memory_space<vmem>>) offsets(%dma_start3A_146 : memref<512xi32, #tpu.memory_space<vmem>>) semaphore(%arg18 : memref<!tpu.dma_semaphore, #tpu.memory_space<semaphore_mem>>)
      } else {
      }
      %add3A_94 = arith.constant 2 : i32
      %add3A_95 = arith.addi %add3A_52, %add3A_94 : i32
      %dma_wait3A_96 = arith.constant 0 : i32
      %dma_wait3A_97 = arith.constant 0 : i32
      %dma_wait3A_98 = tpu.memref_slice %arg8[%dma_wait3A_96, %dma_wait3A_97] : memref<20x512xi32, #tpu.memory_space<vmem>> -> memref<1x512xi32, #tpu.memory_space<vmem>>
      %dma_wait3A_99 = tpu.memref_squeeze %dma_wait3A_98 : memref<1x512xi32, #tpu.memory_space<vmem>> -> memref<512xi32, #tpu.memory_space<vmem>>
      %dma_wait3A_100 = arith.constant 0 : i32
      %dma_wait3A_101 = arith.constant 0 : i32
      %dma_wait3A_102 = tpu.memref_slice %arg2[%dma_wait3A_100, %dma_wait3A_101] : memref<10000x16xf32, #tpu.memory_space<hbm>> -> memref<10000x16xf32, #tpu.memory_space<hbm>>
      tpu.wait_indirect_dma semaphore(%arg17 : memref<!tpu.dma_semaphore, #tpu.memory_space<semaphore_mem>>) src(%dma_wait3A_102 : memref<10000x16xf32, #tpu.memory_space<hbm>>) dst(%arg12 : memref<512x16xf32, #tpu.memory_space<vmem>>)
      %dma_start3A_103 = arith.constant 0 : i32
      %dma_start3A_104 = tpu.memref_slice %arg9[%add3A_95, %dma_start3A_103] : memref<20x512xi32, #tpu.memory_space<vmem>> -> memref<1x512xi32, #tpu.memory_space<vmem>>
      %dma_start3A_105 = tpu.memref_squeeze %dma_start3A_104 : memref<1x512xi32, #tpu.memory_space<vmem>> -> memref<512xi32, #tpu.memory_space<vmem>>
      %dma_start3A_106 = arith.constant 0 : i32
      %dma_start3A_107 = arith.constant 0 : i32
      %dma_start3A_108 = tpu.memref_slice %arg14[%dma_start3A_106, %dma_start3A_107] : memref<10240x16xf32, #tpu.memory_space<vmem_shared>> -> memref<10240x16xf32, #tpu.memory_space<vmem_shared>>
      tpu.enqueue_indirect_dma source(%arg12 : memref<512x16xf32, #tpu.memory_space<vmem>>) target(%dma_start3A_108 : memref<10240x16xf32, #tpu.memory_space<vmem_shared>>) offsets(%dma_start3A_105 : memref<512xi32, #tpu.memory_space<vmem>>) semaphore(%arg21 : memref<!tpu.dma_semaphore, #tpu.memory_space<semaphore_mem>>) {add = true}
      %add3A_109 = arith.constant 2 : i32
      %add3A_110 = arith.addi %add3A_95, %add3A_109 : i32
      %lt3A_111 = arith.constant 20 : i32
      %lt3A_112 = arith.cmpi slt, %add3A_110, %lt3A_111 : i32
      %convert_element_type3A_113 = arith.extui %lt3A_112 : i1 to i32
      %cond3A_114 = arith.constant 0 : i32
      %cond3A_115 = arith.cmpi ne, %convert_element_type3A_113, %cond3A_114 : i32
      scf.if %cond3A_115 {
        %ge3A = arith.constant 2 : i32
        %ge3A_138 = arith.cmpi sge, %add3A_95, %ge3A : i32
        %convert_element_type3A_139 = arith.extui %ge3A_138 : i1 to i32
        %cond3A_140 = arith.constant 0 : i32
        %cond3A_141 = arith.cmpi ne, %convert_element_type3A_139, %cond3A_140 : i32
        scf.if %cond3A_141 {
          %dma_wait3A_150 = arith.constant 0 : i32
          %dma_wait3A_151 = arith.constant 0 : i32
          %dma_wait3A_152 = tpu.memref_slice %arg9[%dma_wait3A_150, %dma_wait3A_151] : memref<20x512xi32, #tpu.memory_space<vmem>> -> memref<1x512xi32, #tpu.memory_space<vmem>>
          %dma_wait3A_153 = tpu.memref_squeeze %dma_wait3A_152 : memref<1x512xi32, #tpu.memory_space<vmem>> -> memref<512xi32, #tpu.memory_space<vmem>>
          %dma_wait3A_154 = arith.constant 0 : i32
          %dma_wait3A_155 = arith.constant 0 : i32
          %dma_wait3A_156 = tpu.memref_slice %arg14[%dma_wait3A_154, %dma_wait3A_155] : memref<10240x16xf32, #tpu.memory_space<vmem_shared>> -> memref<10240x16xf32, #tpu.memory_space<vmem_shared>>
          tpu.wait_indirect_dma semaphore(%arg19 : memref<!tpu.dma_semaphore, #tpu.memory_space<semaphore_mem>>) src(%arg10 : memref<512x16xf32, #tpu.memory_space<vmem>>) dst(%dma_wait3A_156 : memref<10240x16xf32, #tpu.memory_space<vmem_shared>>)
        } else {
        }
        %add3A_142 = arith.constant 2 : i32
        %add3A_143 = arith.addi %add3A_95, %add3A_142 : i32
        %dma_start3A_144 = arith.constant 0 : i32
        %dma_start3A_145 = tpu.memref_slice %arg8[%add3A_143, %dma_start3A_144] : memref<20x512xi32, #tpu.memory_space<vmem>> -> memref<1x512xi32, #tpu.memory_space<vmem>>
        %dma_start3A_146 = tpu.memref_squeeze %dma_start3A_145 : memref<1x512xi32, #tpu.memory_space<vmem>> -> memref<512xi32, #tpu.memory_space<vmem>>
        %dma_start3A_147 = arith.constant 0 : i32
        %dma_start3A_148 = arith.constant 0 : i32
        %dma_start3A_149 = tpu.memref_slice %arg2[%dma_start3A_147, %dma_start3A_148] : memref<10000x16xf32, #tpu.memory_space<hbm>> -> memref<10000x16xf32, #tpu.memory_space<hbm>>
        tpu.enqueue_indirect_dma source(%dma_start3A_149 : memref<10000x16xf32, #tpu.memory_space<hbm>>) target(%arg10 : memref<512x16xf32, #tpu.memory_space<vmem>>) offsets(%dma_start3A_146 : memref<512xi32, #tpu.memory_space<vmem>>) semaphore(%arg15 : memref<!tpu.dma_semaphore, #tpu.memory_space<semaphore_mem>>)
      } else {
      }
      %add3A_116 = arith.constant 3 : i32
      %add3A_117 = arith.addi %add3A_52, %add3A_116 : i32
      %dma_wait3A_118 = arith.constant 0 : i32
      %dma_wait3A_119 = arith.constant 0 : i32
      %dma_wait3A_120 = tpu.memref_slice %arg8[%dma_wait3A_118, %dma_wait3A_119] : memref<20x512xi32, #tpu.memory_space<vmem>> -> memref<1x512xi32, #tpu.memory_space<vmem>>
      %dma_wait3A_121 = tpu.memref_squeeze %dma_wait3A_120 : memref<1x512xi32, #tpu.memory_space<vmem>> -> memref<512xi32, #tpu.memory_space<vmem>>
      %dma_wait3A_122 = arith.constant 0 : i32
      %dma_wait3A_123 = arith.constant 0 : i32
      %dma_wait3A_124 = tpu.memref_slice %arg2[%dma_wait3A_122, %dma_wait3A_123] : memref<10000x16xf32, #tpu.memory_space<hbm>> -> memref<10000x16xf32, #tpu.memory_space<hbm>>
      tpu.wait_indirect_dma semaphore(%arg18 : memref<!tpu.dma_semaphore, #tpu.memory_space<semaphore_mem>>) src(%dma_wait3A_124 : memref<10000x16xf32, #tpu.memory_space<hbm>>) dst(%arg13 : memref<512x16xf32, #tpu.memory_space<vmem>>)
      %dma_start3A_125 = arith.constant 0 : i32
      %dma_start3A_126 = tpu.memref_slice %arg9[%add3A_117, %dma_start3A_125] : memref<20x512xi32, #tpu.memory_space<vmem>> -> memref<1x512xi32, #tpu.memory_space<vmem>>
      %dma_start3A_127 = tpu.memref_squeeze %dma_start3A_126 : memref<1x512xi32, #tpu.memory_space<vmem>> -> memref<512xi32, #tpu.memory_space<vmem>>
      %dma_start3A_128 = arith.constant 0 : i32
      %dma_start3A_129 = arith.constant 0 : i32
      %dma_start3A_130 = tpu.memref_slice %arg14[%dma_start3A_128, %dma_start3A_129] : memref<10240x16xf32, #tpu.memory_space<vmem_shared>> -> memref<10240x16xf32, #tpu.memory_space<vmem_shared>>
      tpu.enqueue_indirect_dma source(%arg13 : memref<512x16xf32, #tpu.memory_space<vmem>>) target(%dma_start3A_130 : memref<10240x16xf32, #tpu.memory_space<vmem_shared>>) offsets(%dma_start3A_127 : memref<512xi32, #tpu.memory_space<vmem>>) semaphore(%arg22 : memref<!tpu.dma_semaphore, #tpu.memory_space<semaphore_mem>>) {add = true}
      %add3A_131 = arith.constant 2 : i32
      %add3A_132 = arith.addi %add3A_117, %add3A_131 : i32
      %lt3A_133 = arith.constant 20 : i32
      %lt3A_134 = arith.cmpi slt, %add3A_132, %lt3A_133 : i32
      %convert_element_type3A_135 = arith.extui %lt3A_134 : i1 to i32
      %cond3A_136 = arith.constant 0 : i32
      %cond3A_137 = arith.cmpi ne, %convert_element_type3A_135, %cond3A_136 : i32
      scf.if %cond3A_137 {
        %ge3A = arith.constant 2 : i32
        %ge3A_138 = arith.cmpi sge, %add3A_117, %ge3A : i32
        %convert_element_type3A_139 = arith.extui %ge3A_138 : i1 to i32
        %cond3A_140 = arith.constant 0 : i32
        %cond3A_141 = arith.cmpi ne, %convert_element_type3A_139, %cond3A_140 : i32
        scf.if %cond3A_141 {
          %dma_wait3A_150 = arith.constant 0 : i32
          %dma_wait3A_151 = arith.constant 0 : i32
          %dma_wait3A_152 = tpu.memref_slice %arg9[%dma_wait3A_150, %dma_wait3A_151] : memref<20x512xi32, #tpu.memory_space<vmem>> -> memref<1x512xi32, #tpu.memory_space<vmem>>
          %dma_wait3A_153 = tpu.memref_squeeze %dma_wait3A_152 : memref<1x512xi32, #tpu.memory_space<vmem>> -> memref<512xi32, #tpu.memory_space<vmem>>
          %dma_wait3A_154 = arith.constant 0 : i32
          %dma_wait3A_155 = arith.constant 0 : i32
          %dma_wait3A_156 = tpu.memref_slice %arg14[%dma_wait3A_154, %dma_wait3A_155] : memref<10240x16xf32, #tpu.memory_space<vmem_shared>> -> memref<10240x16xf32, #tpu.memory_space<vmem_shared>>
          tpu.wait_indirect_dma semaphore(%arg20 : memref<!tpu.dma_semaphore, #tpu.memory_space<semaphore_mem>>) src(%arg11 : memref<512x16xf32, #tpu.memory_space<vmem>>) dst(%dma_wait3A_156 : memref<10240x16xf32, #tpu.memory_space<vmem_shared>>)
        } else {
        }
        %add3A_142 = arith.constant 2 : i32
        %add3A_143 = arith.addi %add3A_117, %add3A_142 : i32
        %dma_start3A_144 = arith.constant 0 : i32
        %dma_start3A_145 = tpu.memref_slice %arg8[%add3A_143, %dma_start3A_144] : memref<20x512xi32, #tpu.memory_space<vmem>> -> memref<1x512xi32, #tpu.memory_space<vmem>>
        %dma_start3A_146 = tpu.memref_squeeze %dma_start3A_145 : memref<1x512xi32, #tpu.memory_space<vmem>> -> memref<512xi32, #tpu.memory_space<vmem>>
        %dma_start3A_147 = arith.constant 0 : i32
        %dma_start3A_148 = arith.constant 0 : i32
        %dma_start3A_149 = tpu.memref_slice %arg2[%dma_start3A_147, %dma_start3A_148] : memref<10000x16xf32, #tpu.memory_space<hbm>> -> memref<10000x16xf32, #tpu.memory_space<hbm>>
        tpu.enqueue_indirect_dma source(%dma_start3A_149 : memref<10000x16xf32, #tpu.memory_space<hbm>>) target(%arg11 : memref<512x16xf32, #tpu.memory_space<vmem>>) offsets(%dma_start3A_146 : memref<512xi32, #tpu.memory_space<vmem>>) semaphore(%arg16 : memref<!tpu.dma_semaphore, #tpu.memory_space<semaphore_mem>>)
      } else {
      }
    }
    %scan3A_19 = arith.constant 5 : i32
    %dma_wait3A = arith.constant 0 : i32
    %dma_wait3A_20 = arith.constant 0 : i32
    %dma_wait3A_21 = tpu.memref_slice %arg9[%dma_wait3A, %dma_wait3A_20] : memref<20x512xi32, #tpu.memory_space<vmem>> -> memref<1x512xi32, #tpu.memory_space<vmem>>
    %dma_wait3A_22 = tpu.memref_squeeze %dma_wait3A_21 : memref<1x512xi32, #tpu.memory_space<vmem>> -> memref<512xi32, #tpu.memory_space<vmem>>
    %dma_wait3A_23 = arith.constant 0 : i32
    %dma_wait3A_24 = arith.constant 0 : i32
    %dma_wait3A_25 = tpu.memref_slice %arg14[%dma_wait3A_23, %dma_wait3A_24] : memref<10240x16xf32, #tpu.memory_space<vmem_shared>> -> memref<10240x16xf32, #tpu.memory_space<vmem_shared>>
    tpu.wait_indirect_dma semaphore(%arg19 : memref<!tpu.dma_semaphore, #tpu.memory_space<semaphore_mem>>) src(%arg10 : memref<512x16xf32, #tpu.memory_space<vmem>>) dst(%dma_wait3A_25 : memref<10240x16xf32, #tpu.memory_space<vmem_shared>>)
    %dma_wait3A_26 = arith.constant 0 : i32
    %dma_wait3A_27 = arith.constant 0 : i32
    %dma_wait3A_28 = tpu.memref_slice %arg9[%dma_wait3A_26, %dma_wait3A_27] : memref<20x512xi32, #tpu.memory_space<vmem>> -> memref<1x512xi32, #tpu.memory_space<vmem>>
    %dma_wait3A_29 = tpu.memref_squeeze %dma_wait3A_28 : memref<1x512xi32, #tpu.memory_space<vmem>> -> memref<512xi32, #tpu.memory_space<vmem>>
    %dma_wait3A_30 = arith.constant 0 : i32
    %dma_wait3A_31 = arith.constant 0 : i32
    %dma_wait3A_32 = tpu.memref_slice %arg14[%dma_wait3A_30, %dma_wait3A_31] : memref<10240x16xf32, #tpu.memory_space<vmem_shared>> -> memref<10240x16xf32, #tpu.memory_space<vmem_shared>>
    tpu.wait_indirect_dma semaphore(%arg20 : memref<!tpu.dma_semaphore, #tpu.memory_space<semaphore_mem>>) src(%arg11 : memref<512x16xf32, #tpu.memory_space<vmem>>) dst(%dma_wait3A_32 : memref<10240x16xf32, #tpu.memory_space<vmem_shared>>)
    %dma_wait3A_33 = arith.constant 0 : i32
    %dma_wait3A_34 = arith.constant 0 : i32
    %dma_wait3A_35 = tpu.memref_slice %arg9[%dma_wait3A_33, %dma_wait3A_34] : memref<20x512xi32, #tpu.memory_space<vmem>> -> memref<1x512xi32, #tpu.memory_space<vmem>>
    %dma_wait3A_36 = tpu.memref_squeeze %dma_wait3A_35 : memref<1x512xi32, #tpu.memory_space<vmem>> -> memref<512xi32, #tpu.memory_space<vmem>>
    %dma_wait3A_37 = arith.constant 0 : i32
    %dma_wait3A_38 = arith.constant 0 : i32
    %dma_wait3A_39 = tpu.memref_slice %arg14[%dma_wait3A_37, %dma_wait3A_38] : memref<10240x16xf32, #tpu.memory_space<vmem_shared>> -> memref<10240x16xf32, #tpu.memory_space<vmem_shared>>
    tpu.wait_indirect_dma semaphore(%arg21 : memref<!tpu.dma_semaphore, #tpu.memory_space<semaphore_mem>>) src(%arg12 : memref<512x16xf32, #tpu.memory_space<vmem>>) dst(%dma_wait3A_39 : memref<10240x16xf32, #tpu.memory_space<vmem_shared>>)
    %dma_wait3A_40 = arith.constant 0 : i32
    %dma_wait3A_41 = arith.constant 0 : i32
    %dma_wait3A_42 = tpu.memref_slice %arg9[%dma_wait3A_40, %dma_wait3A_41] : memref<20x512xi32, #tpu.memory_space<vmem>> -> memref<1x512xi32, #tpu.memory_space<vmem>>
    %dma_wait3A_43 = tpu.memref_squeeze %dma_wait3A_42 : memref<1x512xi32, #tpu.memory_space<vmem>> -> memref<512xi32, #tpu.memory_space<vmem>>
    %dma_wait3A_44 = arith.constant 0 : i32
    %dma_wait3A_45 = arith.constant 0 : i32
    %dma_wait3A_46 = tpu.memref_slice %arg14[%dma_wait3A_44, %dma_wait3A_45] : memref<10240x16xf32, #tpu.memory_space<vmem_shared>> -> memref<10240x16xf32, #tpu.memory_space<vmem_shared>>
    tpu.wait_indirect_dma semaphore(%arg22 : memref<!tpu.dma_semaphore, #tpu.memory_space<semaphore_mem>>) src(%arg13 : memref<512x16xf32, #tpu.memory_space<vmem>>) dst(%dma_wait3A_46 : memref<10240x16xf32, #tpu.memory_space<vmem_shared>>)
    %barrier3A_47 = arith.constant 0 : index
    tpu.barrier barrier_id(%barrier3A_47)
    "tpu.region"() ({
      %run_scoped3A = tpu.sem_alloc : memref<!tpu.dma_semaphore, #tpu.memory_space<semaphore_mem>>
      %dma_start3A_48 = arith.constant 0 : i32
      %dma_start3A_49 = tpu.memref_slice %arg7[%arg0, %mul3A_2, %dma_start3A_48] : memref<2x10240x16xf32, #tpu.memory_space<hbm>> -> memref<1x640x16xf32, #tpu.memory_space<hbm>>
      %dma_start3A_50 = tpu.memref_squeeze %dma_start3A_49 : memref<1x640x16xf32, #tpu.memory_space<hbm>> -> memref<640x16xf32, #tpu.memory_space<hbm>>
      %dma_start3A_51 = arith.constant 0 : i32
      %dma_start3A_52 = tpu.memref_slice %arg14[%mul3A_2, %dma_start3A_51] : memref<10240x16xf32, #tpu.memory_space<vmem_shared>> -> memref<640x16xf32, #tpu.memory_space<vmem_shared>>
      tpu.enqueue_dma source(%dma_start3A_52 : memref<640x16xf32, #tpu.memory_space<vmem_shared>>) target(%dma_start3A_50 : memref<640x16xf32, #tpu.memory_space<hbm>>) target_semaphore(%run_scoped3A : memref<!tpu.dma_semaphore, #tpu.memory_space<semaphore_mem>>)
      %dma_wait3A_53 = arith.constant 0 : i32
      %dma_wait3A_54 = tpu.memref_slice %arg7[%arg0, %mul3A_2, %dma_wait3A_53] : memref<2x10240x16xf32, #tpu.memory_space<hbm>> -> memref<1x640x16xf32, #tpu.memory_space<hbm>>
      %dma_wait3A_55 = tpu.memref_squeeze %dma_wait3A_54 : memref<1x640x16xf32, #tpu.memory_space<hbm>> -> memref<640x16xf32, #tpu.memory_space<hbm>>
      %dma_wait3A_56 = arith.constant 0 : i32
      %dma_wait3A_57 = tpu.memref_slice %arg14[%mul3A_2, %dma_wait3A_56] : memref<10240x16xf32, #tpu.memory_space<vmem_shared>> -> memref<640x16xf32, #tpu.memory_space<vmem_shared>>
      tpu.wait_dma2 semaphore(%run_scoped3A : memref<!tpu.dma_semaphore, #tpu.memory_space<semaphore_mem>>) src(%dma_wait3A_57 : memref<640x16xf32, #tpu.memory_space<vmem_shared>>) dst(%dma_wait3A_55 : memref<640x16xf32, #tpu.memory_space<hbm>>)
      tpu.yield
    }) : () -> ()
    return
  }
}

module attributes {stable_mosaic.version = 14 : i64} {
  func.func @_mm1_body(%arg0: memref<10000x128xf32, #tpu.memory_space<vmem>>, %arg1: memref<128x16xf32, #tpu.memory_space<vmem>>, %arg2: memref<10000x16xf32, #tpu.memory_space<vmem>>) attributes {dimension_semantics = [], scalar_prefetch = 0 : i64, scratch_operands = 0 : i64, tpu.core_type = #tpu.core_type<tc>} {
    %get3A = arith.constant 0 : index
    %get3A_0 = arith.constant 0 : index
    %get3A_1 = vector.load %arg0[%get3A, %get3A_0] : memref<10000x128xf32, #tpu.memory_space<vmem>>, vector<10000x128xf32>
    %get3A_2 = arith.constant 0 : index
    %get3A_3 = arith.constant 0 : index
    %get3A_4 = vector.load %arg1[%get3A_2, %get3A_3] : memref<128x16xf32, #tpu.memory_space<vmem>>, vector<128x16xf32>
    %dot_general3A = arith.constant dense<0.000000e+00> : vector<10000x16xf32>
    %dot_general3A_5 = tpu.matmul %get3A_1, %get3A_4, %dot_general3A {dimension_numbers = #tpu.dot_dimension_numbers<[1], [0], [0], [1], [0, 0, 1, 1], [], []>, transpose_lhs_hint = false} : vector<10000x128xf32>, vector<128x16xf32>, vector<10000x16xf32> -> vector<10000x16xf32>
    %swap3A = arith.constant 0 : index
    %swap3A_6 = arith.constant 0 : index
    %swap3A_7 = vector.load %arg2[%swap3A, %swap3A_6] : memref<10000x16xf32, #tpu.memory_space<vmem>>, vector<10000x16xf32>
    tpu.vector_store %arg2[%swap3A, %swap3A_6], %dot_general3A_5 {strides = array<i32>} : memref<10000x16xf32, #tpu.memory_space<vmem>>, vector<10000x16xf32>,
    return
  }
}

module attributes {stable_mosaic.version = 14 : i64} {
  func.func @_mid_body(%arg0: memref<2x10240x16xf32, #tpu.memory_space<vmem>>, %arg1: memref<2x10240x16xf32, #tpu.memory_space<vmem>>, %arg2: memref<10000x16xf32, #tpu.memory_space<vmem>>, %arg3: memref<1x16xf32, #tpu.memory_space<vmem>>, %arg4: memref<10000x16xf32, #tpu.memory_space<vmem>>, %arg5: memref<10000x16xf32, #tpu.memory_space<vmem>>) attributes {dimension_semantics = [], scalar_prefetch = 0 : i64, scratch_operands = 0 : i64, tpu.core_type = #tpu.core_type<tc>} {
    %get3A = arith.constant 0 : index
    %get3A_0 = arith.constant 0 : index
    %get3A_1 = arith.constant 0 : index
    %get3A_2 = vector.load %arg1[%get3A, %get3A_0, %get3A_1] : memref<2x10240x16xf32, #tpu.memory_space<vmem>>, vector<1x10000x16xf32>
    %get3A_3 = vector.shape_cast %get3A_2 : vector<1x10000x16xf32> to vector<10000x16xf32>
    %get3A_4 = arith.constant 1 : index
    %get3A_5 = arith.constant 0 : index
    %get3A_6 = arith.constant 0 : index
    %get3A_7 = vector.load %arg1[%get3A_4, %get3A_5, %get3A_6] : memref<2x10240x16xf32, #tpu.memory_space<vmem>>, vector<1x10000x16xf32>
    %get3A_8 = vector.shape_cast %get3A_7 : vector<1x10000x16xf32> to vector<10000x16xf32>
    %add3A = arith.addf %get3A_3, %get3A_8 : vector<10000x16xf32>
    %add3A_9 = arith.constant 1.000000e+00 : f32
    %add3A_10 = vector.broadcast %add3A_9 : f32 to vector<10000x16xf32>
    %add3A_11 = arith.addf %add3A, %add3A_10 : vector<10000x16xf32>
    %div3A = arith.constant 1.000000e+00 : f32
    %div3A_12 = vector.broadcast %div3A : f32 to vector<10000x16xf32>
    %div3A_13 = arith.divf %div3A_12, %add3A_11 : vector<10000x16xf32>
    %get3A_14 = arith.constant 0 : index
    %get3A_15 = arith.constant 0 : index
    %get3A_16 = arith.constant 0 : index
    %get3A_17 = vector.load %arg0[%get3A_14, %get3A_15, %get3A_16] : memref<2x10240x16xf32, #tpu.memory_space<vmem>>, vector<1x10000x16xf32>
    %get3A_18 = vector.shape_cast %get3A_17 : vector<1x10000x16xf32> to vector<10000x16xf32>
    %get3A_19 = arith.constant 1 : index
    %get3A_20 = arith.constant 0 : index
    %get3A_21 = arith.constant 0 : index
    %get3A_22 = vector.load %arg0[%get3A_19, %get3A_20, %get3A_21] : memref<2x10240x16xf32, #tpu.memory_space<vmem>>, vector<1x10000x16xf32>
    %get3A_23 = vector.shape_cast %get3A_22 : vector<1x10000x16xf32> to vector<10000x16xf32>
    %add3A_24 = arith.addf %get3A_18, %get3A_23 : vector<10000x16xf32>
    %get3A_25 = arith.constant 0 : index
    %get3A_26 = arith.constant 0 : index
    %get3A_27 = vector.load %arg2[%get3A_25, %get3A_26] : memref<10000x16xf32, #tpu.memory_space<vmem>>, vector<10000x16xf32>
    %add3A_28 = arith.addf %add3A_24, %get3A_27 : vector<10000x16xf32>
    %mul3A = arith.mulf %add3A_28, %div3A_13 : vector<10000x16xf32>
    %get3A_29 = arith.constant 0 : index
    %get3A_30 = arith.constant 0 : index
    %get3A_31 = vector.load %arg3[%get3A_29, %get3A_30] : memref<1x16xf32, #tpu.memory_space<vmem>>, vector<1x16xf32>
    %add3A_32 = vector.broadcast %get3A_31 : vector<1x16xf32> to vector<10000x16xf32>
    %add3A_33 = arith.addf %mul3A, %add3A_32 : vector<10000x16xf32>
    %max3A = arith.constant 0.000000e+00 : f32
    %max3A_34 = vector.broadcast %max3A : f32 to vector<10000x16xf32>
    %max3A_35 = arith.maximumf %add3A_33, %max3A_34 : vector<10000x16xf32>
    %swap3A = arith.constant 0 : index
    %swap3A_36 = arith.constant 0 : index
    %swap3A_37 = vector.load %arg4[%swap3A, %swap3A_36] : memref<10000x16xf32, #tpu.memory_space<vmem>>, vector<10000x16xf32>
    tpu.vector_store %arg4[%swap3A, %swap3A_36], %max3A_35 {strides = array<i32>} : memref<10000x16xf32, #tpu.memory_space<vmem>>, vector<10000x16xf32>,
    %swap3A_38 = arith.constant 0 : index
    %swap3A_39 = arith.constant 0 : index
    %swap3A_40 = vector.load %arg5[%swap3A_38, %swap3A_39] : memref<10000x16xf32, #tpu.memory_space<vmem>>, vector<10000x16xf32>
    tpu.vector_store %arg5[%swap3A_38, %swap3A_39], %div3A_13 {strides = array<i32>} : memref<10000x16xf32, #tpu.memory_space<vmem>>, vector<10000x16xf32>,
    return
  }
}

module attributes {stable_mosaic.version = 14 : i64} {
  func.func @_out_body(%arg0: memref<2x10240x16xf32, #tpu.memory_space<vmem>>, %arg1: memref<10000x16xf32, #tpu.memory_space<vmem>>, %arg2: memref<10000x16xf32, #tpu.memory_space<vmem>>, %arg3: memref<16x128xf32, #tpu.memory_space<vmem>>, %arg4: memref<1x128xf32, #tpu.memory_space<vmem>>, %arg5: memref<10000x128xf32, #tpu.memory_space<vmem>>) attributes {dimension_semantics = [], scalar_prefetch = 0 : i64, scratch_operands = 0 : i64, tpu.core_type = #tpu.core_type<tc>} {
    %get3A = arith.constant 0 : index
    %get3A_0 = arith.constant 0 : index
    %get3A_1 = arith.constant 0 : index
    %get3A_2 = vector.load %arg0[%get3A, %get3A_0, %get3A_1] : memref<2x10240x16xf32, #tpu.memory_space<vmem>>, vector<1x10000x16xf32>
    %get3A_3 = vector.shape_cast %get3A_2 : vector<1x10000x16xf32> to vector<10000x16xf32>
    %get3A_4 = arith.constant 1 : index
    %get3A_5 = arith.constant 0 : index
    %get3A_6 = arith.constant 0 : index
    %get3A_7 = vector.load %arg0[%get3A_4, %get3A_5, %get3A_6] : memref<2x10240x16xf32, #tpu.memory_space<vmem>>, vector<1x10000x16xf32>
    %get3A_8 = vector.shape_cast %get3A_7 : vector<1x10000x16xf32> to vector<10000x16xf32>
    %add3A = arith.addf %get3A_3, %get3A_8 : vector<10000x16xf32>
    %get3A_9 = arith.constant 0 : index
    %get3A_10 = arith.constant 0 : index
    %get3A_11 = vector.load %arg1[%get3A_9, %get3A_10] : memref<10000x16xf32, #tpu.memory_space<vmem>>, vector<10000x16xf32>
    %add3A_12 = arith.addf %add3A, %get3A_11 : vector<10000x16xf32>
    %get3A_13 = arith.constant 0 : index
    %get3A_14 = arith.constant 0 : index
    %get3A_15 = vector.load %arg2[%get3A_13, %get3A_14] : memref<10000x16xf32, #tpu.memory_space<vmem>>, vector<10000x16xf32>
    %mul3A = arith.mulf %add3A_12, %get3A_15 : vector<10000x16xf32>
    %get3A_16 = arith.constant 0 : index
    %get3A_17 = arith.constant 0 : index
    %get3A_18 = vector.load %arg3[%get3A_16, %get3A_17] : memref<16x128xf32, #tpu.memory_space<vmem>>, vector<16x128xf32>
    %dot_general3A = arith.constant dense<0.000000e+00> : vector<10000x128xf32>
    %dot_general3A_19 = tpu.matmul %mul3A, %get3A_18, %dot_general3A {dimension_numbers = #tpu.dot_dimension_numbers<[1], [0], [0], [1], [0, 0, 1, 1], [], []>, transpose_lhs_hint = false} : vector<10000x16xf32>, vector<16x128xf32>, vector<10000x128xf32> -> vector<10000x128xf32>
    %get3A_20 = arith.constant 0 : index
    %get3A_21 = arith.constant 0 : index
    %get3A_22 = vector.load %arg4[%get3A_20, %get3A_21] : memref<1x128xf32, #tpu.memory_space<vmem>>, vector<1x128xf32>
    %add3A_23 = vector.broadcast %get3A_22 : vector<1x128xf32> to vector<10000x128xf32>
    %add3A_24 = arith.addf %dot_general3A_19, %add3A_23 : vector<10000x128xf32>
    %swap3A = arith.constant 0 : index
    %swap3A_25 = arith.constant 0 : index
    %swap3A_26 = vector.load %arg5[%swap3A, %swap3A_25] : memref<10000x128xf32, #tpu.memory_space<vmem>>, vector<10000x128xf32>
    tpu.vector_store %arg5[%swap3A, %swap3A_25], %add3A_24 {strides = array<i32>} : memref<10000x128xf32, #tpu.memory_space<vmem>>, vector<10000x128xf32>,
    return
  }
}

</mosaic_0001>

<sc_bundles>
// kernel: kernel.10.cloned.1.call-start
scs
__scs_entry_jumppad:
0x0: {  	(pc) =	sbr.rel $0x88, $3  }
0x1: {  	(tag) =	ssettag $0x0;
	lr =	simm.s32 $0x1  }
0x2: {  	[smem:$0x3F9B] =	sst lr;
	_ =	strace $0xD0000000  }
0x3: {  	_ = 	snop  }
0x4: {  	_ = 	snop  }
0x5: {  	_ = 	snop  }
0x6: {  	_ = 	snop  }
0x7: {  	_ = 	snop  }
__scs_overlays_trampoline_lowered:
0x8: {  	[smem:$0x3FAA] =	sst s0  }
0x9: {  	[smem:$0x3FAB] =	sst s1  }
0xa: {  	[smem:$0x3FAC] =	sst s2  }
0xb: {  	[smem:$0x3FAD] =	sst s3  }
0xc: {  	[smem:$0x3FAE] =	sst s4  }
0xd: {  	[smem:$0x3FAF] =	sst s5  }
0xe: {  	[smem:$0x3FB0] =	sst s6  }
0xf: {  	[smem:$0x3FB1] =	sst s7  }
0x10: {  	[smem:$0x3FB2] =	sst s8  }
0x11: {  	[smem:$0x3FB3] =	sst s9;
	s0 =	simm.s32 @!p0 $0x0  }
0x12: {  	s1 =	sld [smem:$0x3F99];
	s0 =	simm.s32 @p0 $0x1  }
0x13: {  	[smem:$0x3FB4] =	sst s0;
	s0 =	simm.s32 @!p1 $0x0  }
0x14: {  	s2 =	sld [smem:$0x3F98];
	s0 =	simm.s32 @p1 $0x1  }
0x15: {  	[smem:$0x3FB5] =	sst s0;
	s0 =	simm.s32 @!p2 $0x0  }
0x16: {  	s3 =	sld [smem:$0x3FDB];
	s0 =	simm.s32 @p2 $0x1  }
0x17: {  	s4 =	simm.s32 $0x1BF5;
	[smem:$0x3FB7] =	sst s0  }
0x18: {  	s0 =	sld [smem:$0x3F9A];
	_ =	swait.ge [sflag:s4], $0x0  }
0x19: {  	s7 =	sld [smem:$0x3F9B]  }
0x1a: {  	s8 =	sadd.s32 $0xFFFFE003, lr  }
0x1b: {  	s9 =	sadd.s32 $0xFFFFFEF7, lr;
	s5 =	simm.s32 $0xFFFFFFFF;
	p2 =	slt.u32 s8, $0xFFFFF086  }
0x1c: {  	p1 =	slt.u32 s9, $0xF7A;
	s5 =	simm.s32 @!p2 $0x0  }
0x1d: {  	s5 =	simm.s32 @p1 $0x1;
	p0 =	seq.s32 s7, s2  }
0x1e: {  	s7 =	smul.u32 @!p0 $0xF7A, s2;
	p2 =	seq.s32 @!p0 s5, $0x0  }
0x1f: {  	s9 =	smul.u32 $0xF7A, s1;
	s8 =	simm.s32 @!p0 $0x1BF5;
	p2 =	por !p2, p0  }
0x20: {  	[sflag:s8] =	ssyncset.s32 @!p0 $0xFFFFF086;
	s6 =	sadd.s32 @!p0 s3, s7;
	s7 =	simm.s32 @!p0 $0x108  }
0x21: {  	s3 =	sadd.s32 s3, s9;
	s6 =	sadd.s32 @!p0 $0x88, s6;
	s7 =	simm.s32 @p2 $0x1082  }
0x22: {  	[simem:s7], [sflag:s8] =	dma.local @!p0 [hbm:s6], $0xF7A  }
0x23: {  	s9 =	sor.u32 $0xD0000000, s2;
	s6 =	simm.s32 $0x108;
	_ =	swait.ge @!p0 [sflag:s8], $0x0  }
0x24: {  	s3 =	sadd.s32 $0x88, s3;
	s6 =	simm.s32 @!p1 $0x1082;
	[sflag:s4] =	ssyncset.s32 $0xFFFFF086  }
0x25: {  	[simem:s6], [sflag:s4] =	dma.local [hbm:s3], $0xF7A  }
0x26: {  	[smem:$0x3F9B] =	sst s1;
	(tag) =	ssettag s2;
	_ =	strace s9  }
0x27: {  	s1 =	sld [smem:$0x3FAB]  }
0x28: {  	s2 =	sld [smem:$0x3FAC]  }
0x29: {  	s4 =	sld [smem:$0x3FAE]  }
0x2a: {  	p0 =	seq.s32 s5, $0x0;
	s5 =	sld [smem:$0x3FAF]  }
0x2b: {  	s6 =	sld [smem:$0x3FB0]  }
0x2c: {  	s7 =	sld [smem:$0x3FB1]  }
0x2d: {  	s3 =	simm.s32 $0x108;
	s8 =	sld [smem:$0x3FB2]  }
0x2e: {  	s3 =	simm.s32 @!p0 $0x1082;
	s9 =	sld [smem:$0x3FB3]  }
0x2f: {  	lr =	sadd.s32 s0, s3;
	s0 =	sld [smem:$0x3FAA]  }
0x30: {  	s3 =	sld [smem:$0x3FAD]  }
0x31: {  	[smem:$0x3FB6] =	sst s10  }
0x32: {  	s10 =	sld [smem:$0x3FB4];
	_ =	sdelay $0x3  }
0x33: {  	p0 =	seq.s32 s10, $0x1;
	s10 =	sld [smem:$0x3FB6];
	_ =	sdelay $0x3  }
0x34: {  	[smem:$0x3FB6] =	sst s10  }
0x35: {  	s10 =	sld [smem:$0x3FB5];
	_ =	sdelay $0x3  }
0x36: {  	p1 =	seq.s32 s10, $0x1;
	s10 =	sld [smem:$0x3FB6];
	_ =	sdelay $0x3  }
0x37: {  	[smem:$0x3FB6] =	sst s10  }
0x38: {  	s10 =	sld [smem:$0x3FB7]  }
0x39: {  	_ = 	snop;
	(pc) =	sbr.ind lr, $3  }
0x3a: {  	_ = 	snop  }
0x3b: {  	_ = 	snop  }
0x3c: {  	p2 =	seq.s32 s10, $0x1;
	s10 =	sld [smem:$0x3FB6]  }
0x3d: {  	_ =	shalt  }
0x3e: {  	_ =	shalt  }
0x3f: {  	_ =	shalt  }
0x40: {  	_ =	shalt  }
0x41: {  	_ =	shalt  }
0x42: {  	_ =	shalt  }
0x43: {  	_ =	shalt  }
0x44: {  	_ =	shalt  }
0x45: {  	_ =	shalt  }
0x46: {  	_ =	shalt  }
0x47: {  	_ =	shalt  }
0x48: {  	_ =	shalt  }
0x49: {  	_ =	shalt  }
0x4a: {  	_ =	shalt  }
0x4b: {  	_ =	shalt  }
0x4c: {  	_ =	shalt  }
0x4d: {  	_ =	shalt  }
0x4e: {  	_ =	shalt  }
0x4f: {  	_ =	shalt  }
0x50: {  	_ =	shalt  }
0x51: {  	_ =	shalt  }
0x52: {  	_ =	shalt  }
0x53: {  	_ =	shalt  }
0x54: {  	_ =	shalt  }
0x55: {  	_ =	shalt  }
0x56: {  	_ =	shalt  }
0x57: {  	_ =	shalt  }
0x58: {  	_ =	shalt  }
0x59: {  	_ =	shalt  }
0x5a: {  	_ =	shalt  }
0x5b: {  	_ =	shalt  }
0x5c: {  	_ =	shalt  }
0x5d: {  	_ =	shalt  }
0x5e: {  	_ =	shalt  }
0x5f: {  	_ =	shalt  }
0x60: {  	_ =	shalt  }
0x61: {  	_ =	shalt  }
0x62: {  	_ =	shalt  }
0x63: {  	_ =	shalt  }
0x64: {  	_ =	shalt  }
0x65: {  	_ =	shalt  }
0x66: {  	_ =	shalt  }
0x67: {  	_ =	shalt  }
0x68: {  	_ =	shalt  }
0x69: {  	_ =	shalt  }
0x6a: {  	_ =	shalt  }
0x6b: {  	_ =	shalt  }
0x6c: {  	_ =	shalt  }
0x6d: {  	_ =	shalt  }
0x6e: {  	_ =	shalt  }
0x6f: {  	_ =	shalt  }
0x70: {  	_ =	shalt  }
0x71: {  	_ =	shalt  }
0x72: {  	_ =	shalt  }
0x73: {  	_ =	shalt  }
0x74: {  	_ =	shalt  }
0x75: {  	_ =	shalt  }
0x76: {  	_ =	shalt  }
0x77: {  	_ =	shalt  }
0x78: {  	_ =	shalt  }
0x79: {  	_ =	shalt  }
0x7a: {  	_ =	shalt  }
0x7b: {  	_ =	shalt  }
0x7c: {  	_ =	shalt  }
0x7d: {  	_ =	shalt  }
0x7e: {  	_ =	shalt  }
0x7f: {  	_ =	shalt  }
0x80: {  	_ =	shalt  }
0x81: {  	_ =	shalt  }
0x82: {  	_ =	shalt  }
0x83: {  	_ =	shalt  }
0x84: {  	_ =	shalt  }
0x85: {  	_ =	shalt  }
0x86: {  	_ =	shalt  }
0x87: {  	_ =	shalt  }
.Lfunc_end0:
.L_simem_size_0:
called_computation.1_lowered:
.L_overlay_start_0:
0x88: {  	s2 =	sld [smem:$0x3FD9]  }
0x89: {  	s3 =	sld [smem:$0x3FFE];
	_ =	sdelay $0x1  }
0x8a: {  	s1 =	srdreg.scid  }
0x8b: {  	s0 =	sand.u32 $0x1, s1  }
0x8c: {  	s17 =	sshll.u32 s0, $0xA;
	s2 =	sadd.s32 s3, s2  }
0x8d: {  	s2 =	sadd.s32 s2, s17  }
0x8e: {  	[smem:$0x3FC2] =	sst s2  }
0x8f: {  	_ = 	snop  }
0x90: {  	s2 =	sld [smem:$0x3FD0];
	(tm) =	ssettm $0x1  }
0x91: {  	s18 =	sld [smem:$0x3FFB];
	_ =	sdelay $0x3  }
0x92: {  	_ =	strace s18  }
0x93: {  	s3 =	sld [smem:$0x3FFC];
	_ =	sdelay $0x3  }
0x94: {  	_ =	strace s3  }
0x95: {  	s3 =	sld [smem:$0x3FFD];
	_ =	sdelay $0x3  }
0x96: {  	_ =	strace s3  }
0x97: {  	_ =	strace $0x8FFFFFFF  }
0x98: {  	s19 =	sld [smem:$0x3FDB];
	_ =	sdelay $0x1  }
0x99: {  	s4 =	simm.s32 $_scs_section_size  }
0x9a: {  	s5 =	simm.s32 $_size__tile_overlayer_lowered;
	s6 =	simm.s32 $_tile_overlayer_lowered  }
0x9b: {  	s22 =	simm.s32 $0x1BFF;
	s21 =	sshll.u32 s6, $0x1;
	s3 =	sadd.s32 s4, s19  }
0x9c: {  	s7 =	simm.s32 $0x0;
	s20 =	sshll.u32 s5, $0x1;
	s5 =	sadd.s32 s21, s3  }
0x9d: {  	[timem:s7], [sflag:s22] =	dma.local [hbm:s5], s20  }
0x9e: {  	_ =	swait.ge [sflag:s22], s20  }
0x9f: {  	s4 =	ssub.s32 $0x0, s20;
	[sflag:s22] =	ssyncset.done $0x0  }
0xa0: {  	[sflag:s22] =	ssyncadd.s32 s4;
	_ =	sdelay $0x1  }
0xa1: {  	s23 =	simm.s32 $0x1B8B  }
0xa2: {  	_ =	swait.ge [sflag:s23], $0x1  }
0xa3: {  	[sflag:s23] =	ssyncset.done $0x0  }
0xa4: {  	s25 =	simm.s32 $0x1B8E;
	s24 =	sld [smem:$0x3FFE];
	[sflag:s23] =	ssyncadd.s32 $0xFFFFFFFF  }
0xa5: {  	s26 =	simm.s32 $execute0_lowered;
	[smem:$0x3FD2] =	sst s25  }
0xa6: {  	s5 =	sshll.u32 s26, $0x1;
	_ =	strace $0x80000049;
	[dreg:$0x1] =	wrdreg $0xFFFFFFFF  }
0xa7: {  	s28 =	simm.s32 $_size_execute0_lowered;
	s3 =	sadd.s32 s3, s5;
	[dreg:$0x0] =	wrdreg $0x0  }
0xa8: {  	s5 =	sshll.u32 s28, $0x1;
	[dreg:$0x2] =	wrdreg s3  }
0xa9: {  	[dreg:$0x3] =	wrdreg s5  }
0xaa: {  	[dreg:$0x4] =	wrdreg $0xC0  }
0xab: {  	_ =	task [dreg:s7], $0x5FFFF  }
0xac: {  	[dreg:$0x1] =	wrdreg $0xFFFFFFFF  }
0xad: {  	[dreg:$0x0] =	wrdreg $0x60  }
0xae: {  	[dreg:$0x2] =	wrdreg s24  }
0xaf: {  	[dreg:$0x3] =	wrdreg s2  }
0xb0: {  	[dreg:$0x4] =	wrdreg $0xD0000  }
0xb1: {  	[dreg:$0x5] =	wrdreg $0x9  }
0xb2: {  	_ =	task.clear_ibuf [dreg:s7], $0x6FFFF;
	_ =	strace $0x90000049  }
0xb3: {  	s29 =	simm.s32 $0x9;
	_ =	strace $0x8000004B  }
0xb4: {  	_ =	swait.ge [sflag:s29], $0x1  }
0xb5: {  	[sflag:s29] =	ssyncadd.s32 $0xFFFFFFFF  }
0xb6: {  	_ =	strace $0x9000004B  }
0xb7: {  	_ =	sfence  }
0xb8: {  	s30 =	sld [smem:$0x0];
	_ =	sdelay $0x2  }
0xb9: {  	s31 =	sshll.u32 s1, $0xD;
	s1 =	sshrl.u32 s1, $0x2  }
0xba: {  	s3 =	sand.u32 $0x4000, s31;
	s1 =	sadd.s32 s1, s30  }
0xbb: {  	s0 =	sor.u32 s3, s0;
	s1 =	sshll.u32 s1, $0x11  }
0xbc: {  	s0 =	sor.u32 s1, s0  }
0xbd: {  	s0 =	sadd.s32 $0x8F2B, s0  }
0xbe: {  	[sflag:s0] =	ssyncadd.remote.s32 $0x1  }
0xbf: {  	_ =	sfence.sel $0xFFFF  }
0xc0: {  	[dreg:$0x0] =	wrdreg $0xFFFFFFFF;
	(pc) =	sbr.abs _section_cstart, $3  }
0xc1: {  	[dreg:$0x1] =	wrdreg $0xFFFFFFFF  }
0xc2: {  	_ =	task.clear_ibuf [dreg:s7], $0x2FFFF;
	_ =	strace $0x9FFFFFFF  }
0xc3: {  	(tm) =	ssettm $0x7FFFFFFF  }
tec
execute0_lowered:
.L_overlay_start_1:
0x0: {  	(tag) =	ssettag $0x1  }
0x1: {  	s1 =	rddreg [dreg:$0x0]  }
0x2: {  	s3 =	rddreg [dreg:$0x1]  }
0x3: {  	s2 =	rddreg [dreg:$0x2];
	s30 =	simm.s32 $0x0  }
0x4: {  	s0 =	srdreg.scid;
	s13 =	simm.s32 $0x400;
	[smem:$0x7FF] =	sst s30  }
0x5: {  	s14 =	simm.s32 $0x2A00;
	_ =	strace $0x8000004A;
	[dreg:$0x8] =	wrdreg s13  }
0x6: {  	s20 =	stileid.u32;
	s15 =	simm.s32 $0x600;
	[dreg:$0x9] =	wrdreg s14  }
0x7: {  	s16 =	simm.s32 $0x2C00;
	s17 =	simm.s32 $0x800;
	[dreg:$0xa] =	wrdreg s15  }
0x8: {  	s18 =	simm.s32 $0x2E00;
	s19 =	simm.s32 $0xA00;
	[dreg:$0xb] =	wrdreg s16  }
0x9: {  	s22 =	simm.s32 $0x3000;
	s23 =	simm.s32 $0xC00;
	[dreg:$0xc] =	wrdreg s17  }
0xa: {  	s24 =	simm.s32 $0x3200;
	s26 =	simm.s32 $0xE00;
	[dreg:$0xd] =	wrdreg s18  }
0xb: {  	s9 =	simm.s32 $0x1200;
	s31 =	simm.s32 $0x2800;
	[dreg:$0xe] =	wrdreg s19  }
0xc: {  	s29 =	simm.s32 $0x4600;
	p0 =	por $0x0, $0x0;
	[dreg:$0xf] =	wrdreg s22  }
0xd: {  	s28 =	simm.s32 $0x4800;
	s0 =	sand.u32 $0x1, s0;
	[dreg:$0x10] =	wrdreg s23  }
0xe: {  	s5 =	smul.u32 $0x2800, s20;
	s25 =	sshll.u32 s20, $0x6;
	[dreg:$0x11] =	wrdreg s24  }
0xf: {  	s4 =	sshll.u32 s0, $0x4;
	s7 =	smul.u32 $0x28000, s0;
	[dreg:$0x12] =	wrdreg s26  }
0x10: {  	s0 =	ssub.s32 $0x2, s0;
	[dreg:$0x16] =	wrdreg s9;
	s13 =	simm.s32 $0x3A00  }
0x11: {  	s9 =	simm.s32 $0x7000;
	s14 =	simm.s32 $0x1600;
	s19 =	simm.s32 $0x1  }
0x12: {  	s15 =	simm.s32 $0x3C00;
	s16 =	simm.s32 $0x1800;
	[dreg:$0x19] =	wrdreg s13  }
0x13: {  	s17 =	simm.s32 $0x2;
	s18 =	simm.s32 $0x3E00;
	[dreg:$0x1a] =	wrdreg s14  }
0x14: {  	s22 =	simm.s32 $0x4000;
	s23 =	simm.s32 $0x1C00;
	[dreg:$0x1b] =	wrdreg s15  }
0x15: {  	s24 =	simm.s32 $0x4200;
	s26 =	simm.s32 $0x4400;
	[dreg:$0x1c] =	wrdreg s16  }
0x16: {  	s4 =	sor.u32 s20, s4;
	s6 =	sshrl.u32 s5, $0x3;
	[dreg:$0x1d] =	wrdreg s18  }
0x17: {  	s21 =	sshrl.u32 s0, $0x1;
	s16 =	simm.s32 $0x3;
	[dreg:$0x1f] =	wrdreg s22  }
0x18: {  	s18 =	simm.s32 $0x4;
	[smem:$0x7FA] =	sst s23;
	s13 =	simm.s32 $0x6  }
0x19: {  	[smem:$0x7FB] =	sst s24;
	s14 =	simm.s32 $0x7;
	s15 =	simm.s32 $0x8  }
0x1a: {  	[smem:$0x7FD] =	sst s26;
	s26 =	simm.s32 $0x2000;
	s24 =	simm.s32 $0x4A00  }
0x1b: {  	s23 =	simm.s32 $0x2600;
	s22 =	simm.s32 $0x4C00;
	s4 =	smul.u32 $0x500, s4  }
0x1c: {  	s6 =	sadd.s32 s6, s1;
	s7 =	sadd.s32 s5, s7;
	s0 =	ssub.s32 s0, s21  }
0x1d: {  	s5 =	sadd.s32 s5, s2;
	s21 =	simm.s32 $0x1A00;
	s6 =	sadd.s32 $0x10600, s6  }
0x1e: {  	s7 =	sshrl.u32 s7, $0x3;
	s0 =	smax.u32 s0, $0x1;
	s5 =	sshrl.u32 s5, $0x3  }
0x1f: {  	[dreg:$0x1e] =	wrdreg s21;
	s21 =	simm.s32 $0x4E00;
	s8 =	sadd.s32 s4, s1  }
0x20: {  	[dreg:$0x4] =	wrdreg s6;
	s3 =	sadd.s32 s3, s4;
	s10 =	sadd.s32 s7, s1  }
0x21: {  	s4 =	sadd.s32 $0x1200, s1;
	s6 =	simm.s32 $0x3400;
	[dreg:$0x5] =	wrdreg s3  }
0x22: {  	s7 =	simm.s32 $0x1000;
	p1 =	sne.s32 s0, $0x1;
	[dreg:$0x13] =	wrdreg s6  }
0x23: {  	s1 =	sadd.s32 $0xFFFFFFFF, s0;
	s11 =	sadd.s32 $0x6200, s8;
	[dreg:$0x14] =	wrdreg s7  }
0x24: {  	s12 =	sadd.s32 $0x15600, s10;
	s3 =	sor.u32 $0x1C09, s25;
	s0 =	rddreg [dreg:$0x4]  }
0x25: {  	s8 =	simm.s32 $0x3600;
	s6 =	simm.s32 $0x9;
	[dreg:$0x6] =	wrdreg s11  }
.Ltmp0:
0x26: {  	s10 =	simm.s32 $0x3800;
	[dreg:$0x7] =	wrdreg s12;
	(pc) =	sbr.rel @!p1 .LBB2_1-.Ltmp0, $4  }
0x27: {  	s7 =	simm.s32 $0x200;
	s25 =	simm.s32 $0x1E00;
	[dreg:$0x15] =	wrdreg s8  }
0x28: {  	[dreg:$0x17] =	wrdreg s10;
	s11 =	simm.s32 $0x1400;
	s12 =	simm.s32 $0x5000  }
0x29: {  	s8 =	simm.s32 $0x9000;
	s10 =	simm.s32 $0xB000;
	[smem:$0x7FC] =	sst s25  }
0x2a: {  	s25 =	simm.s32 $0x2400;
	[dreg:$0x18] =	wrdreg s11;
	s11 =	simm.s32 $0x5  }
0x2b: {  	[spmem:s5], [sflag:s3] =	dma.local [hbm:s0], $0x500  }
0x2c: {  	_ =	swait.ge [sflag:s6], $0x500  }
0x2d: {  	[sflag:s6] =	ssyncset.done $0x0  }
0x2e: {  	s20 =	rddreg [dreg:$0x5];
	[sflag:s6] =	ssyncadd.s32 $0xFFFFFB00  }
0x2f: {  	[tilespmem:s30], [sflag:$0x9] =	stream.linear.gather [hbm4b:s20+s30], $0x2800, $0x38;
	[tilespmem:$0xF800] =	vst v63  }
0x30: {  	_ =	swait.ge [sflag:s6], $0x2800  }
0x31: {  	[sflag:s6] =	ssyncset.done $0x0  }
0x32: {  	s20 =	rddreg [dreg:$0x6];
	[sflag:s6] =	ssyncadd.s32 $0xFFFFD800  }
0x33: {  	[tilespmem:s31], [sflag:$0x9] =	stream.linear.gather [hbm4b:s20+s30], $0x2800, $0x38;
	[tilespmem:$0xF800] =	vst v63  }
0x34: {  	_ =	swait.ge [sflag:s6], $0x2800  }
0x35: {  	[sflag:s6] =	ssyncset.done $0x0  }
0x36: {  	[sflag:s6] =	ssyncadd.s32 $0xFFFFD800  }
0x37: {  	[bflag:$0x0] =	sbarrier.arrive $0xFFFF  }
0x38: {  	[tilespmem:s12], [sflag:$0x1] =	stream.indirect.gather [hbm4b:s4+s7], $0x10, s30, s7, $0xb8;
	[tilespmem:$0xF800] =	vst v63  }
0x39: {  	_ = 	snop  }
0x3a: {  	[tilespmem:s9], [sflag:$0x2] =	stream.indirect.gather [hbm4b:s4+s7], $0x10, s7, s7, $0xb8;
	[tilespmem:$0xF800] =	vst v63  }
0x3b: {  	_ =	swait.ge [sflag:s19], $0x2000  }
0x3c: {  	[sflag:s19] =	ssyncset.done $0x0  }
0x3d: {  	[sflag:s19] =	ssyncadd.s32 $0xFFFFE000  }
0x3e: {  	[spmem:s2] =	stream.indirect.scatter.add.f32 [tilespmem:s12], [sflag:$0x5], $0x10, s31, s7, $0xb8;
	[tilespmem:$0xF800] =	vst v63  }
0x3f: {  	s20 =	rddreg [dreg:$0x8]  }
0x40: {  	[tilespmem:s8], [sflag:$0x3] =	stream.indirect.gather [hbm4b:s4+s7], $0x10, s20, s7, $0xb8;
	[tilespmem:$0xF800] =	vst v63  }
0x41: {  	_ =	swait.ge [sflag:s17], $0x2000  }
0x42: {  	[sflag:s17] =	ssyncset.done $0x0  }
0x43: {  	s0 =	rddreg [dreg:$0x9];
	[sflag:s17] =	ssyncadd.s32 $0xFFFFE000  }
0x44: {  	[spmem:s2] =	stream.indirect.scatter.add.f32 [tilespmem:s9], [sflag:$0x6], $0x10, s0, s7, $0xb8;
	[tilespmem:$0xF800] =	vst v63  }
0x45: {  	s20 =	smov.u32 s1;
	s1 =	rddreg [dreg:$0xa]  }
0x46: {  	[tilespmem:s10], [sflag:$0x4] =	stream.indirect.gather [hbm4b:s4+s7], $0x10, s1, s7, $0xb8;
	[tilespmem:$0xF800] =	vst v63  }
0x47: {  	_ =	swait.ge [sflag:s16], $0x2000  }
0x48: {  	[sflag:s16] =	ssyncset.done $0x0  }
0x49: {  	s1 =	rddreg [dreg:$0xb];
	[sflag:s16] =	ssyncadd.s32 $0xFFFFE000  }
0x4a: {  	[spmem:s2] =	stream.indirect.scatter.add.f32 [tilespmem:s8], [sflag:$0x7], $0x10, s1, s7, $0xb8;
	[tilespmem:$0xF800] =	vst v63  }
0x4b: {  	_ =	swait.ge [sflag:s11], $0x2000  }
0x4c: {  	[sflag:s11] =	ssyncset.done $0x0  }
0x4d: {  	s1 =	rddreg [dreg:$0xc];
	[sflag:s11] =	ssyncadd.s32 $0xFFFFE000  }
0x4e: {  	[tilespmem:s12], [sflag:$0x1] =	stream.indirect.gather [hbm4b:s4+s7], $0x10, s1, s7, $0xb8;
	[tilespmem:$0xF800] =	vst v63  }
0x4f: {  	_ =	swait.ge [sflag:s18], $0x2000  }
0x50: {  	[sflag:s18] =	ssyncset.done $0x0  }
0x51: {  	s1 =	rddreg [dreg:$0xd];
	[sflag:s18] =	ssyncadd.s32 $0xFFFFE000  }
0x52: {  	[spmem:s2] =	stream.indirect.scatter.add.f32 [tilespmem:s10], [sflag:$0x8], $0x10, s1, s7, $0xb8;
	[tilespmem:$0xF800] =	vst v63  }
0x53: {  	_ =	swait.ge [sflag:s13], $0x2000  }
0x54: {  	[sflag:s13] =	ssyncset.done $0x0  }
0x55: {  	s1 =	rddreg [dreg:$0xe];
	[sflag:s13] =	ssyncadd.s32 $0xFFFFE000  }
0x56: {  	[tilespmem:s9], [sflag:$0x2] =	stream.indirect.gather [hbm4b:s4+s7], $0x10, s1, s7, $0xb8;
	[tilespmem:$0xF800] =	vst v63  }
0x57: {  	_ =	swait.ge [sflag:s19], $0x2000  }
0x58: {  	[sflag:s19] =	ssyncset.done $0x0  }
0x59: {  	s1 =	rddreg [dreg:$0xf];
	[sflag:s19] =	ssyncadd.s32 $0xFFFFE000  }
0x5a: {  	[spmem:s2] =	stream.indirect.scatter.add.f32 [tilespmem:s12], [sflag:$0x5], $0x10, s1, s7, $0xb8;
	[tilespmem:$0xF800] =	vst v63  }
0x5b: {  	_ =	swait.ge [sflag:s14], $0x2000  }
0x5c: {  	[sflag:s14] =	ssyncset.done $0x0  }
0x5d: {  	s1 =	rddreg [dreg:$0x10];
	[sflag:s14] =	ssyncadd.s32 $0xFFFFE000  }
0x5e: {  	[tilespmem:s8], [sflag:$0x3] =	stream.indirect.gather [hbm4b:s4+s7], $0x10, s1, s7, $0xb8;
	[tilespmem:$0xF800] =	vst v63  }
0x5f: {  	_ =	swait.ge [sflag:s17], $0x2000  }
0x60: {  	[sflag:s17] =	ssyncset.done $0x0  }
0x61: {  	s1 =	rddreg [dreg:$0x11];
	[sflag:s17] =	ssyncadd.s32 $0xFFFFE000  }
0x62: {  	[spmem:s2] =	stream.indirect.scatter.add.f32 [tilespmem:s9], [sflag:$0x6], $0x10, s1, s7, $0xb8;
	[tilespmem:$0xF800] =	vst v63  }
0x63: {  	_ =	swait.ge [sflag:s15], $0x2000  }
0x64: {  	[sflag:s15] =	ssyncset.done $0x0  }
0x65: {  	s1 =	rddreg [dreg:$0x12];
	[sflag:s15] =	ssyncadd.s32 $0xFFFFE000  }
0x66: {  	[tilespmem:s10], [sflag:$0x4] =	stream.indirect.gather [hbm4b:s4+s7], $0x10, s1, s7, $0xb8;
	[tilespmem:$0xF800] =	vst v63  }
0x67: {  	_ =	swait.ge [sflag:s16], $0x2000  }
0x68: {  	[sflag:s16] =	ssyncset.done $0x0  }
0x69: {  	s1 =	rddreg [dreg:$0x13];
	[sflag:s16] =	ssyncadd.s32 $0xFFFFE000  }
0x6a: {  	[spmem:s2] =	stream.indirect.scatter.add.f32 [tilespmem:s8], [sflag:$0x7], $0x10, s1, s7, $0xb8;
	[tilespmem:$0xF800] =	vst v63  }
0x6b: {  	_ =	swait.ge [sflag:s11], $0x2000  }
0x6c: {  	[sflag:s11] =	ssyncset.done $0x0  }
0x6d: {  	s1 =	rddreg [dreg:$0x14];
	[sflag:s11] =	ssyncadd.s32 $0xFFFFE000  }
0x6e: {  	[tilespmem:s12], [sflag:$0x1] =	stream.indirect.gather [hbm4b:s4+s7], $0x10, s1, s7, $0xb8;
	[tilespmem:$0xF800] =	vst v63  }
0x6f: {  	_ =	swait.ge [sflag:s18], $0x2000  }
0x70: {  	[sflag:s18] =	ssyncset.done $0x0  }
0x71: {  	s1 =	rddreg [dreg:$0x15];
	[sflag:s18] =	ssyncadd.s32 $0xFFFFE000  }
0x72: {  	[spmem:s2] =	stream.indirect.scatter.add.f32 [tilespmem:s10], [sflag:$0x8], $0x10, s1, s7, $0xb8;
	[tilespmem:$0xF800] =	vst v63  }
0x73: {  	_ =	swait.ge [sflag:s13], $0x2000  }
0x74: {  	[sflag:s13] =	ssyncset.done $0x0  }
0x75: {  	s1 =	rddreg [dreg:$0x16];
	[sflag:s13] =	ssyncadd.s32 $0xFFFFE000  }
0x76: {  	[tilespmem:s9], [sflag:$0x2] =	stream.indirect.gather [hbm4b:s4+s7], $0x10, s1, s7, $0xb8;
	[tilespmem:$0xF800] =	vst v63  }
0x77: {  	_ =	swait.ge [sflag:s19], $0x2000  }
0x78: {  	[sflag:s19] =	ssyncset.done $0x0  }
0x79: {  	s1 =	rddreg [dreg:$0x17];
	[sflag:s19] =	ssyncadd.s32 $0xFFFFE000  }
0x7a: {  	[spmem:s2] =	stream.indirect.scatter.add.f32 [tilespmem:s12], [sflag:$0x5], $0x10, s1, s7, $0xb8;
	[tilespmem:$0xF800] =	vst v63  }
0x7b: {  	_ =	swait.ge [sflag:s14], $0x2000  }
0x7c: {  	[sflag:s14] =	ssyncset.done $0x0  }
0x7d: {  	s1 =	rddreg [dreg:$0x18];
	[sflag:s14] =	ssyncadd.s32 $0xFFFFE000  }
0x7e: {  	[tilespmem:s8], [sflag:$0x3] =	stream.indirect.gather [hbm4b:s4+s7], $0x10, s1, s7, $0xb8;
	[tilespmem:$0xF800] =	vst v63  }
0x7f: {  	_ =	swait.ge [sflag:s17], $0x2000  }
0x80: {  	[sflag:s17] =	ssyncset.done $0x0  }
0x81: {  	s1 =	rddreg [dreg:$0x19];
	[sflag:s17] =	ssyncadd.s32 $0xFFFFE000  }
0x82: {  	[spmem:s2] =	stream.indirect.scatter.add.f32 [tilespmem:s9], [sflag:$0x6], $0x10, s1, s7, $0xb8;
	[tilespmem:$0xF800] =	vst v63  }
0x83: {  	_ =	swait.ge [sflag:s15], $0x2000  }
0x84: {  	[sflag:s15] =	ssyncset.done $0x0  }
0x85: {  	s1 =	rddreg [dreg:$0x1a];
	[sflag:s15] =	ssyncadd.s32 $0xFFFFE000  }
0x86: {  	[tilespmem:s10], [sflag:$0x4] =	stream.indirect.gather [hbm4b:s4+s7], $0x10, s1, s7, $0xb8;
	[tilespmem:$0xF800] =	vst v63  }
0x87: {  	_ =	swait.ge [sflag:s16], $0x2000  }
0x88: {  	[sflag:s16] =	ssyncset.done $0x0  }
0x89: {  	s1 =	rddreg [dreg:$0x1b];
	[sflag:s16] =	ssyncadd.s32 $0xFFFFE000  }
0x8a: {  	[spmem:s2] =	stream.indirect.scatter.add.f32 [tilespmem:s8], [sflag:$0x7], $0x10, s1, s7, $0xb8;
	[tilespmem:$0xF800] =	vst v63  }
0x8b: {  	_ =	swait.ge [sflag:s11], $0x2000  }
0x8c: {  	[sflag:s11] =	ssyncset.done $0x0  }
0x8d: {  	s1 =	rddreg [dreg:$0x1c];
	[sflag:s11] =	ssyncadd.s32 $0xFFFFE000  }
0x8e: {  	[tilespmem:s12], [sflag:$0x1] =	stream.indirect.gather [hbm4b:s4+s7], $0x10, s1, s7, $0xb8;
	[tilespmem:$0xF800] =	vst v63  }
0x8f: {  	_ =	swait.ge [sflag:s18], $0x2000  }
0x90: {  	[sflag:s18] =	ssyncset.done $0x0  }
0x91: {  	s1 =	rddreg [dreg:$0x1d];
	[sflag:s18] =	ssyncadd.s32 $0xFFFFE000  }
0x92: {  	[spmem:s2] =	stream.indirect.scatter.add.f32 [tilespmem:s10], [sflag:$0x8], $0x10, s1, s7, $0xb8;
	[tilespmem:$0xF800] =	vst v63  }
0x93: {  	_ =	swait.ge [sflag:s13], $0x2000  }
0x94: {  	[sflag:s13] =	ssyncset.done $0x0  }
0x95: {  	s1 =	rddreg [dreg:$0x1e];
	[sflag:s13] =	ssyncadd.s32 $0xFFFFE000  }
0x96: {  	[tilespmem:s9], [sflag:$0x2] =	stream.indirect.gather [hbm4b:s4+s7], $0x10, s1, s7, $0xb8;
	[tilespmem:$0xF800] =	vst v63  }
0x97: {  	_ =	swait.ge [sflag:s19], $0x2000  }
0x98: {  	[sflag:s19] =	ssyncset.done $0x0  }
0x99: {  	s1 =	rddreg [dreg:$0x1f];
	[sflag:s19] =	ssyncadd.s32 $0xFFFFE000  }
0x9a: {  	[spmem:s2] =	stream.indirect.scatter.add.f32 [tilespmem:s12], [sflag:$0x5], $0x10, s1, s7, $0xb8;
	[tilespmem:$0xF800] =	vst v63  }
0x9b: {  	_ =	swait.ge [sflag:s14], $0x2000  }
0x9c: {  	s1 =	sld [smem:$0x7FA]  }
0x9d: {  	[sflag:s14] =	ssyncset.done $0x0  }
0x9e: {  	[sflag:s14] =	ssyncadd.s32 $0xFFFFE000  }
0x9f: {  	[tilespmem:s8], [sflag:$0x3] =	stream.indirect.gather [hbm4b:s4+s7], $0x10, s1, s7, $0xb8;
	[tilespmem:$0xF800] =	vst v63  }
0xa0: {  	_ =	swait.ge [sflag:s17], $0x2000  }
0xa1: {  	s1 =	sld [smem:$0x7FB]  }
0xa2: {  	[sflag:s17] =	ssyncset.done $0x0  }
0xa3: {  	[sflag:s17] =	ssyncadd.s32 $0xFFFFE000  }
0xa4: {  	[spmem:s2] =	stream.indirect.scatter.add.f32 [tilespmem:s9], [sflag:$0x6], $0x10, s1, s7, $0xb8;
	[tilespmem:$0xF800] =	vst v63  }
0xa5: {  	_ =	swait.ge [sflag:s15], $0x2000  }
0xa6: {  	s1 =	sld [smem:$0x7FC]  }
0xa7: {  	[sflag:s15] =	ssyncset.done $0x0  }
0xa8: {  	[sflag:s15] =	ssyncadd.s32 $0xFFFFE000  }
0xa9: {  	[tilespmem:s10], [sflag:$0x4] =	stream.indirect.gather [hbm4b:s4+s7], $0x10, s1, s7, $0xb8;
	[tilespmem:$0xF800] =	vst v63  }
0xaa: {  	_ =	swait.ge [sflag:s16], $0x2000  }
0xab: {  	s1 =	sld [smem:$0x7FD]  }
0xac: {  	[sflag:s16] =	ssyncset.done $0x0  }
0xad: {  	[sflag:s16] =	ssyncadd.s32 $0xFFFFE000  }
0xae: {  	[spmem:s2] =	stream.indirect.scatter.add.f32 [tilespmem:s8], [sflag:$0x7], $0x10, s1, s7, $0xb8;
	[tilespmem:$0xF800] =	vst v63  }
0xaf: {  	_ =	swait.ge [sflag:s11], $0x2000  }
0xb0: {  	[sflag:s11] =	ssyncset.done $0x0  }
0xb1: {  	[sflag:s11] =	ssyncadd.s32 $0xFFFFE000  }
0xb2: {  	[tilespmem:s12], [sflag:$0x1] =	stream.indirect.gather [hbm4b:s4+s7], $0x10, s26, s7, $0xb8;
	[tilespmem:$0xF800] =	vst v63  }
0xb3: {  	_ =	swait.ge [sflag:s18], $0x2000  }
0xb4: {  	[sflag:s18] =	ssyncset.done $0x0  }
0xb5: {  	[sflag:s18] =	ssyncadd.s32 $0xFFFFE000  }
0xb6: {  	[spmem:s2] =	stream.indirect.scatter.add.f32 [tilespmem:s10], [sflag:$0x8], $0x10, s29, s7, $0xb8;
	[tilespmem:$0xF800] =	vst v63  }
0xb7: {  	_ =	swait.ge [sflag:s13], $0x2000  }
0xb8: {  	[sflag:s13] =	ssyncset.done $0x0  }
0xb9: {  	s1 =	simm.s32 $0x2200;
	[sflag:s13] =	ssyncadd.s32 $0xFFFFE000  }
0xba: {  	[tilespmem:s9], [sflag:$0x2] =	stream.indirect.gather [hbm4b:s4+s7], $0x10, s1, s7, $0xb8;
	[tilespmem:$0xF800] =	vst v63  }
0xbb: {  	_ =	swait.ge [sflag:s19], $0x2000  }
0xbc: {  	[sflag:s19] =	ssyncset.done $0x0  }
0xbd: {  	[sflag:s19] =	ssyncadd.s32 $0xFFFFE000  }
0xbe: {  	[spmem:s2] =	stream.indirect.scatter.add.f32 [tilespmem:s12], [sflag:$0x5], $0x10, s28, s7, $0xb8;
	[tilespmem:$0xF800] =	vst v63  }
0xbf: {  	_ =	swait.ge [sflag:s14], $0x2000  }
0xc0: {  	[sflag:s14] =	ssyncset.done $0x0  }
0xc1: {  	[sflag:s14] =	ssyncadd.s32 $0xFFFFE000  }
0xc2: {  	[tilespmem:s8], [sflag:$0x3] =	stream.indirect.gather [hbm4b:s4+s7], $0x10, s25, s7, $0xb8;
	[tilespmem:$0xF800] =	vst v63  }
0xc3: {  	_ =	swait.ge [sflag:s17], $0x2000  }
0xc4: {  	[sflag:s17] =	ssyncset.done $0x0  }
0xc5: {  	[sflag:s17] =	ssyncadd.s32 $0xFFFFE000  }
0xc6: {  	[spmem:s2] =	stream.indirect.scatter.add.f32 [tilespmem:s9], [sflag:$0x6], $0x10, s24, s7, $0xb8;
	[tilespmem:$0xF800] =	vst v63  }
0xc7: {  	_ =	swait.ge [sflag:s15], $0x2000  }
0xc8: {  	[sflag:s15] =	ssyncset.done $0x0  }
0xc9: {  	[sflag:s15] =	ssyncadd.s32 $0xFFFFE000  }
0xca: {  	[tilespmem:s10], [sflag:$0x4] =	stream.indirect.gather [hbm4b:s4+s7], $0x10, s23, s7, $0xb8;
	[tilespmem:$0xF800] =	vst v63  }
0xcb: {  	_ =	swait.ge [sflag:s16], $0x2000  }
0xcc: {  	[sflag:s16] =	ssyncset.done $0x0  }
0xcd: {  	[sflag:s16] =	ssyncadd.s32 $0xFFFFE000  }
0xce: {  	[spmem:s2] =	stream.indirect.scatter.add.f32 [tilespmem:s8], [sflag:$0x7], $0x10, s22, s7, $0xb8;
	[tilespmem:$0xF800] =	vst v63  }
0xcf: {  	_ =	swait.ge [sflag:s18], $0x2000  }
0xd0: {  	[sflag:s18] =	ssyncset.done $0x0  }
0xd1: {  	[sflag:s18] =	ssyncadd.s32 $0xFFFFE000  }
0xd2: {  	[spmem:s2] =	stream.indirect.scatter.add.f32 [tilespmem:s10], [sflag:$0x8], $0x10, s21, s7, $0xb8;
	[tilespmem:$0xF800] =	vst v63  }
0xd3: {  	_ =	swait.ge [sflag:s11], $0x2000  }
0xd4: {  	[sflag:s11] =	ssyncset.done $0x0  }
0xd5: {  	[sflag:s11] =	ssyncadd.s32 $0xFFFFE000  }
0xd6: {  	_ =	swait.ge [sflag:s13], $0x2000  }
0xd7: {  	[sflag:s13] =	ssyncset.done $0x0  }
0xd8: {  	[sflag:s13] =	ssyncadd.s32 $0xFFFFE000  }
0xd9: {  	_ =	swait.ge [sflag:s14], $0x2000  }
0xda: {  	[sflag:s14] =	ssyncset.done $0x0  }
0xdb: {  	[sflag:s14] =	ssyncadd.s32 $0xFFFFE000  }
0xdc: {  	_ =	swait.ge [sflag:s15], $0x2000  }
0xdd: {  	[sflag:s15] =	ssyncset.done $0x0  }
0xde: {  	p1 =	sne.s32 s20, $0x1;
	[sflag:s15] =	ssyncadd.s32 $0xFFFFE000  }
.Ltmp1:
0xdf: {  	[bflag:$0x0] =	sbarrier.arrive $0xFFFF;
	(pc) =	sbr.rel @!p1 .LBB2_3-.Ltmp1, $4  }
0xe0: {  	s1 =	rddreg [dreg:$0x7]  }
0xe1: {  	[hbm:s1], [sflag:s3] =	dma.local [spmem:s5], $0x500  }
0xe2: {  	p0 =	por $0x1, $0x1;
	_ =	swait.ge [sflag:s6], $0x500  }
0xe3: {  	s1 =	sadd.s32 $0xFFFFFFFF, s20;
	s0 =	rddreg [dreg:$0x4];
	[sflag:s6] =	ssyncset.done $0x0  }
.LBB2_4:
0xe4: {  	[sflag:s6] =	ssyncadd.s32 $0xFFFFFB00  }
0xe5: {  	[spmem:s5], [sflag:s3] =	dma.local [hbm:s0], $0x500  }
0xe6: {  	_ =	swait.ge [sflag:s6], $0x500  }
0xe7: {  	[sflag:s6] =	ssyncset.done $0x0  }
0xe8: {  	s20 =	rddreg [dreg:$0x5];
	[sflag:s6] =	ssyncadd.s32 $0xFFFFFB00  }
0xe9: {  	[tilespmem:s30], [sflag:$0x9] =	stream.linear.gather [hbm4b:s20+s30], $0x2800, $0x38;
	[tilespmem:$0xF800] =	vst v63  }
0xea: {  	_ =	swait.ge [sflag:s6], $0x2800  }
0xeb: {  	[sflag:s6] =	ssyncset.done $0x0  }
0xec: {  	s20 =	rddreg [dreg:$0x6];
	[sflag:s6] =	ssyncadd.s32 $0xFFFFD800  }
0xed: {  	[tilespmem:s31], [sflag:$0x9] =	stream.linear.gather [hbm4b:s20+s30], $0x2800, $0x38;
	[tilespmem:$0xF800] =	vst v63  }
0xee: {  	_ =	swait.ge [sflag:s6], $0x2800  }
0xef: {  	[sflag:s6] =	ssyncset.done $0x0  }
0xf0: {  	[sflag:s6] =	ssyncadd.s32 $0xFFFFD800  }
0xf1: {  	[bflag:$0x0] =	sbarrier.arrive $0xFFFF  }
0xf2: {  	[tilespmem:s12], [sflag:$0x1] =	stream.indirect.gather [hbm4b:s4+s7], $0x10, s30, s7, $0xb8;
	[tilespmem:$0xF800] =	vst v63  }
0xf3: {  	_ = 	snop  }
0xf4: {  	[tilespmem:s9], [sflag:$0x2] =	stream.indirect.gather [hbm4b:s4+s7], $0x10, s7, s7, $0xb8;
	[tilespmem:$0xF800] =	vst v63  }
0xf5: {  	_ =	swait.ge [sflag:s19], $0x2000  }
0xf6: {  	[sflag:s19] =	ssyncset.done $0x0  }
0xf7: {  	[sflag:s19] =	ssyncadd.s32 $0xFFFFE000  }
0xf8: {  	[spmem:s2] =	stream.indirect.scatter.add.f32 [tilespmem:s12], [sflag:$0x5], $0x10, s31, s7, $0xb8;
	[tilespmem:$0xF800] =	vst v63  }
0xf9: {  	s20 =	rddreg [dreg:$0x8]  }
0xfa: {  	[tilespmem:s8], [sflag:$0x3] =	stream.indirect.gather [hbm4b:s4+s7], $0x10, s20, s7, $0xb8;
	[tilespmem:$0xF800] =	vst v63  }
0xfb: {  	_ =	swait.ge [sflag:s17], $0x2000  }
0xfc: {  	[sflag:s17] =	ssyncset.done $0x0  }
0xfd: {  	s0 =	rddreg [dreg:$0x9];
	[sflag:s17] =	ssyncadd.s32 $0xFFFFE000  }
0xfe: {  	[spmem:s2] =	stream.indirect.scatter.add.f32 [tilespmem:s9], [sflag:$0x6], $0x10, s0, s7, $0xb8;
	[tilespmem:$0xF800] =	vst v63  }
0xff: {  	s20 =	rddreg [dreg:$0xa]  }
0x100: {  	[tilespmem:s10], [sflag:$0x4] =	stream.indirect.gather [hbm4b:s4+s7], $0x10, s20, s7, $0xb8;
	[tilespmem:$0xF800] =	vst v63  }
0x101: {  	_ =	swait.ge [sflag:s16], $0x2000  }
0x102: {  	[sflag:s16] =	ssyncset.done $0x0  }
0x103: {  	s20 =	rddreg [dreg:$0xb];
	[sflag:s16] =	ssyncadd.s32 $0xFFFFE000  }
0x104: {  	[spmem:s2] =	stream.indirect.scatter.add.f32 [tilespmem:s8], [sflag:$0x7], $0x10, s20, s7, $0xb8;
	[tilespmem:$0xF800] =	vst v63  }
0x105: {  	_ =	swait.ge [sflag:s11], $0x2000  }
0x106: {  	[sflag:s11] =	ssyncset.done $0x0  }
0x107: {  	s20 =	rddreg [dreg:$0xc];
	[sflag:s11] =	ssyncadd.s32 $0xFFFFE000  }
0x108: {  	[tilespmem:s12], [sflag:$0x1] =	stream.indirect.gather [hbm4b:s4+s7], $0x10, s20, s7, $0xb8;
	[tilespmem:$0xF800] =	vst v63  }
0x109: {  	_ =	swait.ge [sflag:s18], $0x2000  }
0x10a: {  	[sflag:s18] =	ssyncset.done $0x0  }
0x10b: {  	s20 =	rddreg [dreg:$0xd];
	[sflag:s18] =	ssyncadd.s32 $0xFFFFE000  }
0x10c: {  	[spmem:s2] =	stream.indirect.scatter.add.f32 [tilespmem:s10], [sflag:$0x8], $0x10, s20, s7, $0xb8;
	[tilespmem:$0xF800] =	vst v63  }
0x10d: {  	_ =	swait.ge [sflag:s13], $0x2000  }
0x10e: {  	[sflag:s13] =	ssyncset.done $0x0  }
0x10f: {  	s20 =	rddreg [dreg:$0xe];
	[sflag:s13] =	ssyncadd.s32 $0xFFFFE000  }
0x110: {  	[tilespmem:s9], [sflag:$0x2] =	stream.indirect.gather [hbm4b:s4+s7], $0x10, s20, s7, $0xb8;
	[tilespmem:$0xF800] =	vst v63  }
0x111: {  	_ =	swait.ge [sflag:s19], $0x2000  }
0x112: {  	[sflag:s19] =	ssyncset.done $0x0  }
0x113: {  	s20 =	rddreg [dreg:$0xf];
	[sflag:s19] =	ssyncadd.s32 $0xFFFFE000  }
0x114: {  	[spmem:s2] =	stream.indirect.scatter.add.f32 [tilespmem:s12], [sflag:$0x5], $0x10, s20, s7, $0xb8;
	[tilespmem:$0xF800] =	vst v63  }
0x115: {  	_ =	swait.ge [sflag:s14], $0x2000  }
0x116: {  	[sflag:s14] =	ssyncset.done $0x0  }
0x117: {  	s20 =	rddreg [dreg:$0x10];
	[sflag:s14] =	ssyncadd.s32 $0xFFFFE000  }
0x118: {  	[tilespmem:s8], [sflag:$0x3] =	stream.indirect.gather [hbm4b:s4+s7], $0x10, s20, s7, $0xb8;
	[tilespmem:$0xF800] =	vst v63  }
0x119: {  	_ =	swait.ge [sflag:s17], $0x2000  }
0x11a: {  	[sflag:s17] =	ssyncset.done $0x0  }
0x11b: {  	s20 =	rddreg [dreg:$0x11];
	[sflag:s17] =	ssyncadd.s32 $0xFFFFE000  }
0x11c: {  	[spmem:s2] =	stream.indirect.scatter.add.f32 [tilespmem:s9], [sflag:$0x6], $0x10, s20, s7, $0xb8;
	[tilespmem:$0xF800] =	vst v63  }
0x11d: {  	_ =	swait.ge [sflag:s15], $0x2000  }
0x11e: {  	[sflag:s15] =	ssyncset.done $0x0  }
0x11f: {  	s20 =	rddreg [dreg:$0x12];
	[sflag:s15] =	ssyncadd.s32 $0xFFFFE000  }
0x120: {  	[tilespmem:s10], [sflag:$0x4] =	stream.indirect.gather [hbm4b:s4+s7], $0x10, s20, s7, $0xb8;
	[tilespmem:$0xF800] =	vst v63  }
0x121: {  	_ =	swait.ge [sflag:s16], $0x2000  }
0x122: {  	[sflag:s16] =	ssyncset.done $0x0  }
0x123: {  	s20 =	rddreg [dreg:$0x13];
	[sflag:s16] =	ssyncadd.s32 $0xFFFFE000  }
0x124: {  	[spmem:s2] =	stream.indirect.scatter.add.f32 [tilespmem:s8], [sflag:$0x7], $0x10, s20, s7, $0xb8;
	[tilespmem:$0xF800] =	vst v63  }
0x125: {  	_ =	swait.ge [sflag:s11], $0x2000  }
0x126: {  	[sflag:s11] =	ssyncset.done $0x0  }
0x127: {  	s20 =	rddreg [dreg:$0x14];
	[sflag:s11] =	ssyncadd.s32 $0xFFFFE000  }
0x128: {  	[tilespmem:s12], [sflag:$0x1] =	stream.indirect.gather [hbm4b:s4+s7], $0x10, s20, s7, $0xb8;
	[tilespmem:$0xF800] =	vst v63  }
0x129: {  	_ =	swait.ge [sflag:s18], $0x2000  }
0x12a: {  	[sflag:s18] =	ssyncset.done $0x0  }
0x12b: {  	s20 =	rddreg [dreg:$0x15];
	[sflag:s18] =	ssyncadd.s32 $0xFFFFE000  }
0x12c: {  	[spmem:s2] =	stream.indirect.scatter.add.f32 [tilespmem:s10], [sflag:$0x8], $0x10, s20, s7, $0xb8;
	[tilespmem:$0xF800] =	vst v63  }
0x12d: {  	_ =	swait.ge [sflag:s13], $0x2000  }
0x12e: {  	[sflag:s13] =	ssyncset.done $0x0  }
0x12f: {  	s20 =	rddreg [dreg:$0x16];
	[sflag:s13] =	ssyncadd.s32 $0xFFFFE000  }
0x130: {  	[tilespmem:s9], [sflag:$0x2] =	stream.indirect.gather [hbm4b:s4+s7], $0x10, s20, s7, $0xb8;
	[tilespmem:$0xF800] =	vst v63  }
0x131: {  	_ =	swait.ge [sflag:s19], $0x2000  }
0x132: {  	[sflag:s19] =	ssyncset.done $0x0  }
0x133: {  	s20 =	rddreg [dreg:$0x17];
	[sflag:s19] =	ssyncadd.s32 $0xFFFFE000  }
0x134: {  	[spmem:s2] =	stream.indirect.scatter.add.f32 [tilespmem:s12], [sflag:$0x5], $0x10, s20, s7, $0xb8;
	[tilespmem:$0xF800] =	vst v63  }
0x135: {  	_ =	swait.ge [sflag:s14], $0x2000  }
0x136: {  	[sflag:s14] =	ssyncset.done $0x0  }
0x137: {  	s20 =	rddreg [dreg:$0x18];
	[sflag:s14] =	ssyncadd.s32 $0xFFFFE000  }
0x138: {  	[tilespmem:s8], [sflag:$0x3] =	stream.indirect.gather [hbm4b:s4+s7], $0x10, s20, s7, $0xb8;
	[tilespmem:$0xF800] =	vst v63  }
0x139: {  	_ =	swait.ge [sflag:s17], $0x2000  }
0x13a: {  	[sflag:s17] =	ssyncset.done $0x0  }
0x13b: {  	s20 =	rddreg [dreg:$0x19];
	[sflag:s17] =	ssyncadd.s32 $0xFFFFE000  }
0x13c: {  	[spmem:s2] =	stream.indirect.scatter.add.f32 [tilespmem:s9], [sflag:$0x6], $0x10, s20, s7, $0xb8;
	[tilespmem:$0xF800] =	vst v63  }
0x13d: {  	_ =	swait.ge [sflag:s15], $0x2000  }
0x13e: {  	[sflag:s15] =	ssyncset.done $0x0  }
0x13f: {  	s20 =	rddreg [dreg:$0x1a];
	[sflag:s15] =	ssyncadd.s32 $0xFFFFE000  }
0x140: {  	[tilespmem:s10], [sflag:$0x4] =	stream.indirect.gather [hbm4b:s4+s7], $0x10, s20, s7, $0xb8;
	[tilespmem:$0xF800] =	vst v63  }
0x141: {  	_ =	swait.ge [sflag:s16], $0x2000  }
0x142: {  	[sflag:s16] =	ssyncset.done $0x0  }
0x143: {  	s20 =	rddreg [dreg:$0x1b];
	[sflag:s16] =	ssyncadd.s32 $0xFFFFE000  }
0x144: {  	[spmem:s2] =	stream.indirect.scatter.add.f32 [tilespmem:s8], [sflag:$0x7], $0x10, s20, s7, $0xb8;
	[tilespmem:$0xF800] =	vst v63  }
0x145: {  	_ =	swait.ge [sflag:s11], $0x2000  }
0x146: {  	[sflag:s11] =	ssyncset.done $0x0  }
0x147: {  	s20 =	rddreg [dreg:$0x1c];
	[sflag:s11] =	ssyncadd.s32 $0xFFFFE000  }
0x148: {  	[tilespmem:s12], [sflag:$0x1] =	stream.indirect.gather [hbm4b:s4+s7], $0x10, s20, s7, $0xb8;
	[tilespmem:$0xF800] =	vst v63  }
0x149: {  	_ =	swait.ge [sflag:s18], $0x2000  }
0x14a: {  	[sflag:s18] =	ssyncset.done $0x0  }
0x14b: {  	s20 =	rddreg [dreg:$0x1d];
	[sflag:s18] =	ssyncadd.s32 $0xFFFFE000  }
0x14c: {  	[spmem:s2] =	stream.indirect.scatter.add.f32 [tilespmem:s10], [sflag:$0x8], $0x10, s20, s7, $0xb8;
	[tilespmem:$0xF800] =	vst v63  }
0x14d: {  	_ =	swait.ge [sflag:s13], $0x2000  }
0x14e: {  	[sflag:s13] =	ssyncset.done $0x0  }
0x14f: {  	s20 =	rddreg [dreg:$0x1e];
	[sflag:s13] =	ssyncadd.s32 $0xFFFFE000  }
0x150: {  	[tilespmem:s9], [sflag:$0x2] =	stream.indirect.gather [hbm4b:s4+s7], $0x10, s20, s7, $0xb8;
	[tilespmem:$0xF800] =	vst v63  }
0x151: {  	_ =	swait.ge [sflag:s19], $0x2000  }
0x152: {  	[sflag:s19] =	ssyncset.done $0x0  }
0x153: {  	s20 =	rddreg [dreg:$0x1f];
	[sflag:s19] =	ssyncadd.s32 $0xFFFFE000  }
0x154: {  	[spmem:s2] =	stream.indirect.scatter.add.f32 [tilespmem:s12], [sflag:$0x5], $0x10, s20, s7, $0xb8;
	[tilespmem:$0xF800] =	vst v63  }
0x155: {  	_ =	swait.ge [sflag:s14], $0x2000  }
0x156: {  	s20 =	sld [smem:$0x7FA]  }
0x157: {  	[sflag:s14] =	ssyncset.done $0x0  }
0x158: {  	[sflag:s14] =	ssyncadd.s32 $0xFFFFE000  }
0x159: {  	[tilespmem:s8], [sflag:$0x3] =	stream.indirect.gather [hbm4b:s4+s7], $0x10, s20, s7, $0xb8;
	[tilespmem:$0xF800] =	vst v63  }
0x15a: {  	_ =	swait.ge [sflag:s17], $0x2000  }
0x15b: {  	s20 =	sld [smem:$0x7FB]  }
0x15c: {  	[sflag:s17] =	ssyncset.done $0x0  }
0x15d: {  	[sflag:s17] =	ssyncadd.s32 $0xFFFFE000  }
0x15e: {  	[spmem:s2] =	stream.indirect.scatter.add.f32 [tilespmem:s9], [sflag:$0x6], $0x10, s20, s7, $0xb8;
	[tilespmem:$0xF800] =	vst v63  }
0x15f: {  	_ =	swait.ge [sflag:s15], $0x2000  }
0x160: {  	s20 =	sld [smem:$0x7FC]  }
0x161: {  	[sflag:s15] =	ssyncset.done $0x0  }
0x162: {  	[sflag:s15] =	ssyncadd.s32 $0xFFFFE000  }
0x163: {  	[tilespmem:s10], [sflag:$0x4] =	stream.indirect.gather [hbm4b:s4+s7], $0x10, s20, s7, $0xb8;
	[tilespmem:$0xF800] =	vst v63  }
0x164: {  	_ =	swait.ge [sflag:s16], $0x2000  }
0x165: {  	s20 =	sld [smem:$0x7FD]  }
0x166: {  	[sflag:s16] =	ssyncset.done $0x0  }
0x167: {  	[sflag:s16] =	ssyncadd.s32 $0xFFFFE000  }
0x168: {  	[spmem:s2] =	stream.indirect.scatter.add.f32 [tilespmem:s8], [sflag:$0x7], $0x10, s20, s7, $0xb8;
	[tilespmem:$0xF800] =	vst v63  }
0x169: {  	_ =	swait.ge [sflag:s11], $0x2000  }
0x16a: {  	[sflag:s11] =	ssyncset.done $0x0  }
0x16b: {  	[sflag:s11] =	ssyncadd.s32 $0xFFFFE000  }
0x16c: {  	[tilespmem:s12], [sflag:$0x1] =	stream.indirect.gather [hbm4b:s4+s7], $0x10, s26, s7, $0xb8;
	[tilespmem:$0xF800] =	vst v63  }
0x16d: {  	_ =	swait.ge [sflag:s18], $0x2000  }
0x16e: {  	[sflag:s18] =	ssyncset.done $0x0  }
0x16f: {  	[sflag:s18] =	ssyncadd.s32 $0xFFFFE000  }
0x170: {  	[spmem:s2] =	stream.indirect.scatter.add.f32 [tilespmem:s10], [sflag:$0x8], $0x10, s29, s7, $0xb8;
	[tilespmem:$0xF800] =	vst v63  }
0x171: {  	_ =	swait.ge [sflag:s13], $0x2000  }
0x172: {  	[sflag:s13] =	ssyncset.done $0x0  }
0x173: {  	s20 =	simm.s32 $0x2200;
	[sflag:s13] =	ssyncadd.s32 $0xFFFFE000  }
0x174: {  	[tilespmem:s9], [sflag:$0x2] =	stream.indirect.gather [hbm4b:s4+s7], $0x10, s20, s7, $0xb8;
	[tilespmem:$0xF800] =	vst v63  }
0x175: {  	_ =	swait.ge [sflag:s19], $0x2000  }
0x176: {  	[sflag:s19] =	ssyncset.done $0x0  }
0x177: {  	[sflag:s19] =	ssyncadd.s32 $0xFFFFE000  }
0x178: {  	[spmem:s2] =	stream.indirect.scatter.add.f32 [tilespmem:s12], [sflag:$0x5], $0x10, s28, s7, $0xb8;
	[tilespmem:$0xF800] =	vst v63  }
0x179: {  	_ =	swait.ge [sflag:s14], $0x2000  }
0x17a: {  	[sflag:s14] =	ssyncset.done $0x0  }
0x17b: {  	[sflag:s14] =	ssyncadd.s32 $0xFFFFE000  }
0x17c: {  	[tilespmem:s8], [sflag:$0x3] =	stream.indirect.gather [hbm4b:s4+s7], $0x10, s25, s7, $0xb8;
	[tilespmem:$0xF800] =	vst v63  }
0x17d: {  	_ =	swait.ge [sflag:s17], $0x2000  }
0x17e: {  	[sflag:s17] =	ssyncset.done $0x0  }
0x17f: {  	[sflag:s17] =	ssyncadd.s32 $0xFFFFE000  }
0x180: {  	[spmem:s2] =	stream.indirect.scatter.add.f32 [tilespmem:s9], [sflag:$0x6], $0x10, s24, s7, $0xb8;
	[tilespmem:$0xF800] =	vst v63  }
0x181: {  	_ =	swait.ge [sflag:s15], $0x2000  }
0x182: {  	[sflag:s15] =	ssyncset.done $0x0  }
0x183: {  	[sflag:s15] =	ssyncadd.s32 $0xFFFFE000  }
0x184: {  	[tilespmem:s10], [sflag:$0x4] =	stream.indirect.gather [hbm4b:s4+s7], $0x10, s23, s7, $0xb8;
	[tilespmem:$0xF800] =	vst v63  }
0x185: {  	_ =	swait.ge [sflag:s16], $0x2000  }
0x186: {  	[sflag:s16] =	ssyncset.done $0x0  }
0x187: {  	[sflag:s16] =	ssyncadd.s32 $0xFFFFE000  }
0x188: {  	[spmem:s2] =	stream.indirect.scatter.add.f32 [tilespmem:s8], [sflag:$0x7], $0x10, s22, s7, $0xb8;
	[tilespmem:$0xF800] =	vst v63  }
0x189: {  	_ =	swait.ge [sflag:s18], $0x2000  }
0x18a: {  	[sflag:s18] =	ssyncset.done $0x0  }
0x18b: {  	[sflag:s18] =	ssyncadd.s32 $0xFFFFE000  }
0x18c: {  	[spmem:s2] =	stream.indirect.scatter.add.f32 [tilespmem:s10], [sflag:$0x8], $0x10, s21, s7, $0xb8;
	[tilespmem:$0xF800] =	vst v63  }
0x18d: {  	_ =	swait.ge [sflag:s11], $0x2000  }
0x18e: {  	[sflag:s11] =	ssyncset.done $0x0  }
0x18f: {  	[sflag:s11] =	ssyncadd.s32 $0xFFFFE000  }
0x190: {  	_ =	swait.ge [sflag:s13], $0x2000  }
0x191: {  	[sflag:s13] =	ssyncset.done $0x0  }
0x192: {  	[sflag:s13] =	ssyncadd.s32 $0xFFFFE000  }
0x193: {  	_ =	swait.ge [sflag:s14], $0x2000  }
0x194: {  	[sflag:s14] =	ssyncset.done $0x0  }
0x195: {  	[sflag:s14] =	ssyncadd.s32 $0xFFFFE000  }
0x196: {  	_ =	swait.ge [sflag:s15], $0x2000  }
0x197: {  	[sflag:s15] =	ssyncset.done $0x0  }
0x198: {  	p1 =	sne.s32 s1, $0x1;
	[sflag:s15] =	ssyncadd.s32 $0xFFFFE000  }
.Ltmp2:
0x199: {  	[bflag:$0x0] =	sbarrier.arrive $0xFFFF;
	(pc) =	sbr.rel @p1 .LBB2_4-.Ltmp2, $4  }
0x19a: {  	s20 =	rddreg [dreg:$0x7]  }
0x19b: {  	[hbm:s20], [sflag:s3] =	dma.local [spmem:s5], $0x500  }
0x19c: {  	_ =	swait.ge [sflag:s6], $0x500  }
0x19d: {  	s1 =	sadd.s32 $0xFFFFFFFF, s1;
	s0 =	rddreg [dreg:$0x4];
	[sflag:s6] =	ssyncset.done $0x0  }
0x19e: {  	s21 =	simm.s32 $0x2000;
	s29 =	simm.s32 $0x4600;
	s28 =	simm.s32 $0x4800  }
0x19f: {  	s26 =	simm.s32 $0x2200;
	s25 =	simm.s32 $0x2400;
	s24 =	simm.s32 $0x4A00  }
0x1a0: {  	s23 =	simm.s32 $0x2600;
	s22 =	simm.s32 $0x4C00;
	s20 =	stileid.u32  }
.LBB2_6:
0x1a1: {  	[sflag:s6] =	ssyncadd.s32 @p0 $0xFFFFFB00  }
0x1a2: {  	[spmem:s5], [sflag:s3] =	dma.local [hbm:s0], $0x500  }
0x1a3: {  	_ =	swait.ge [sflag:s6], $0x500  }
0x1a4: {  	[sflag:s6] =	ssyncset.done $0x0  }
0x1a5: {  	s1 =	rddreg [dreg:$0x5];
	[sflag:s6] =	ssyncadd.s32 $0xFFFFFB00  }
0x1a6: {  	[tilespmem:s30], [sflag:$0x9] =	stream.linear.gather [hbm4b:s1+s30], $0x2800, $0x38;
	[tilespmem:$0xF800] =	vst v63  }
0x1a7: {  	_ =	swait.ge [sflag:s6], $0x2800  }
0x1a8: {  	[sflag:s6] =	ssyncset.done $0x0  }
0x1a9: {  	s1 =	rddreg [dreg:$0x6];
	[sflag:s6] =	ssyncadd.s32 $0xFFFFD800  }
0x1aa: {  	[tilespmem:s31], [sflag:$0x9] =	stream.linear.gather [hbm4b:s1+s30], $0x2800, $0x38;
	[tilespmem:$0xF800] =	vst v63  }
0x1ab: {  	_ =	swait.ge [sflag:s6], $0x2800  }
0x1ac: {  	[sflag:s6] =	ssyncset.done $0x0  }
0x1ad: {  	[sflag:s6] =	ssyncadd.s32 $0xFFFFD800  }
0x1ae: {  	[bflag:$0x0] =	sbarrier.arrive $0xFFFF  }
0x1af: {  	[tilespmem:s12], [sflag:$0x1] =	stream.indirect.gather [hbm4b:s4+s7], $0x10, s30, s7, $0xb8;
	[tilespmem:$0xF800] =	vst v63  }
0x1b0: {  	_ = 	snop  }
0x1b1: {  	[tilespmem:s9], [sflag:$0x2] =	stream.indirect.gather [hbm4b:s4+s7], $0x10, s7, s7, $0xb8;
	[tilespmem:$0xF800] =	vst v63  }
0x1b2: {  	_ =	swait.ge [sflag:s19], $0x2000  }
0x1b3: {  	[sflag:s19] =	ssyncset.done $0x0  }
0x1b4: {  	[sflag:s19] =	ssyncadd.s32 $0xFFFFE000  }
0x1b5: {  	[spmem:s2] =	stream.indirect.scatter.add.f32 [tilespmem:s12], [sflag:$0x5], $0x10, s31, s7, $0xb8;
	[tilespmem:$0xF800] =	vst v63  }
0x1b6: {  	s30 =	rddreg [dreg:$0x8]  }
0x1b7: {  	[tilespmem:s8], [sflag:$0x3] =	stream.indirect.gather [hbm4b:s4+s7], $0x10, s30, s7, $0xb8;
	[tilespmem:$0xF800] =	vst v63  }
0x1b8: {  	_ =	swait.ge [sflag:s17], $0x2000  }
0x1b9: {  	[sflag:s17] =	ssyncset.done $0x0  }
0x1ba: {  	s31 =	rddreg [dreg:$0x9];
	[sflag:s17] =	ssyncadd.s32 $0xFFFFE000  }
0x1bb: {  	[spmem:s2] =	stream.indirect.scatter.add.f32 [tilespmem:s9], [sflag:$0x6], $0x10, s31, s7, $0xb8;
	[tilespmem:$0xF800] =	vst v63  }
0x1bc: {  	s1 =	rddreg [dreg:$0xa]  }
0x1bd: {  	[tilespmem:s10], [sflag:$0x4] =	stream.indirect.gather [hbm4b:s4+s7], $0x10, s1, s7, $0xb8;
	[tilespmem:$0xF800] =	vst v63  }
0x1be: {  	_ =	swait.ge [sflag:s16], $0x2000  }
0x1bf: {  	[sflag:s16] =	ssyncset.done $0x0  }
0x1c0: {  	s1 =	rddreg [dreg:$0xb];
	[sflag:s16] =	ssyncadd.s32 $0xFFFFE000  }
0x1c1: {  	[spmem:s2] =	stream.indirect.scatter.add.f32 [tilespmem:s8], [sflag:$0x7], $0x10, s1, s7, $0xb8;
	[tilespmem:$0xF800] =	vst v63  }
0x1c2: {  	_ =	swait.ge [sflag:s11], $0x2000  }
0x1c3: {  	[sflag:s11] =	ssyncset.done $0x0  }
0x1c4: {  	s30 =	rddreg [dreg:$0xc];
	[sflag:s11] =	ssyncadd.s32 $0xFFFFE000  }
0x1c5: {  	[tilespmem:s12], [sflag:$0x1] =	stream.indirect.gather [hbm4b:s4+s7], $0x10, s30, s7, $0xb8;
	[tilespmem:$0xF800] =	vst v63  }
0x1c6: {  	_ =	swait.ge [sflag:s18], $0x2000  }
0x1c7: {  	[sflag:s18] =	ssyncset.done $0x0  }
0x1c8: {  	s31 =	rddreg [dreg:$0xd];
	[sflag:s18] =	ssyncadd.s32 $0xFFFFE000  }
0x1c9: {  	[spmem:s2] =	stream.indirect.scatter.add.f32 [tilespmem:s10], [sflag:$0x8], $0x10, s31, s7, $0xb8;
	[tilespmem:$0xF800] =	vst v63  }
0x1ca: {  	_ =	swait.ge [sflag:s13], $0x2000  }
0x1cb: {  	[sflag:s13] =	ssyncset.done $0x0  }
0x1cc: {  	s1 =	rddreg [dreg:$0xe];
	[sflag:s13] =	ssyncadd.s32 $0xFFFFE000  }
0x1cd: {  	[tilespmem:s9], [sflag:$0x2] =	stream.indirect.gather [hbm4b:s4+s7], $0x10, s1, s7, $0xb8;
	[tilespmem:$0xF800] =	vst v63  }
0x1ce: {  	_ =	swait.ge [sflag:s19], $0x2000  }
0x1cf: {  	[sflag:s19] =	ssyncset.done $0x0  }
0x1d0: {  	s30 =	rddreg [dreg:$0xf];
	[sflag:s19] =	ssyncadd.s32 $0xFFFFE000  }
0x1d1: {  	[spmem:s2] =	stream.indirect.scatter.add.f32 [tilespmem:s12], [sflag:$0x5], $0x10, s30, s7, $0xb8;
	[tilespmem:$0xF800] =	vst v63  }
0x1d2: {  	_ =	swait.ge [sflag:s14], $0x2000  }
0x1d3: {  	[sflag:s14] =	ssyncset.done $0x0  }
0x1d4: {  	s31 =	rddreg [dreg:$0x10];
	[sflag:s14] =	ssyncadd.s32 $0xFFFFE000  }
0x1d5: {  	[tilespmem:s8], [sflag:$0x3] =	stream.indirect.gather [hbm4b:s4+s7], $0x10, s31, s7, $0xb8;
	[tilespmem:$0xF800] =	vst v63  }
0x1d6: {  	_ =	swait.ge [sflag:s17], $0x2000  }
0x1d7: {  	[sflag:s17] =	ssyncset.done $0x0  }
0x1d8: {  	s1 =	rddreg [dreg:$0x11];
	[sflag:s17] =	ssyncadd.s32 $0xFFFFE000  }
0x1d9: {  	[spmem:s2] =	stream.indirect.scatter.add.f32 [tilespmem:s9], [sflag:$0x6], $0x10, s1, s7, $0xb8;
	[tilespmem:$0xF800] =	vst v63  }
0x1da: {  	_ =	swait.ge [sflag:s15], $0x2000  }
0x1db: {  	[sflag:s15] =	ssyncset.done $0x0  }
0x1dc: {  	s30 =	rddreg [dreg:$0x12];
	[sflag:s15] =	ssyncadd.s32 $0xFFFFE000  }
0x1dd: {  	[tilespmem:s10], [sflag:$0x4] =	stream.indirect.gather [hbm4b:s4+s7], $0x10, s30, s7, $0xb8;
	[tilespmem:$0xF800] =	vst v63  }
0x1de: {  	_ =	swait.ge [sflag:s16], $0x2000  }
0x1df: {  	[sflag:s16] =	ssyncset.done $0x0  }
0x1e0: {  	s31 =	rddreg [dreg:$0x13];
	[sflag:s16] =	ssyncadd.s32 $0xFFFFE000  }
0x1e1: {  	[spmem:s2] =	stream.indirect.scatter.add.f32 [tilespmem:s8], [sflag:$0x7], $0x10, s31, s7, $0xb8;
	[tilespmem:$0xF800] =	vst v63  }
0x1e2: {  	_ =	swait.ge [sflag:s11], $0x2000  }
0x1e3: {  	[sflag:s11] =	ssyncset.done $0x0  }
0x1e4: {  	s1 =	rddreg [dreg:$0x14];
	[sflag:s11] =	ssyncadd.s32 $0xFFFFE000  }
0x1e5: {  	[tilespmem:s12], [sflag:$0x1] =	stream.indirect.gather [hbm4b:s4+s7], $0x10, s1, s7, $0xb8;
	[tilespmem:$0xF800] =	vst v63  }
0x1e6: {  	_ =	swait.ge [sflag:s18], $0x2000  }
0x1e7: {  	[sflag:s18] =	ssyncset.done $0x0  }
0x1e8: {  	s30 =	rddreg [dreg:$0x15];
	[sflag:s18] =	ssyncadd.s32 $0xFFFFE000  }
0x1e9: {  	[spmem:s2] =	stream.indirect.scatter.add.f32 [tilespmem:s10], [sflag:$0x8], $0x10, s30, s7, $0xb8;
	[tilespmem:$0xF800] =	vst v63  }
0x1ea: {  	_ =	swait.ge [sflag:s13], $0x2000  }
0x1eb: {  	[sflag:s13] =	ssyncset.done $0x0  }
0x1ec: {  	s31 =	rddreg [dreg:$0x16];
	[sflag:s13] =	ssyncadd.s32 $0xFFFFE000  }
0x1ed: {  	[tilespmem:s9], [sflag:$0x2] =	stream.indirect.gather [hbm4b:s4+s7], $0x10, s31, s7, $0xb8;
	[tilespmem:$0xF800] =	vst v63  }
0x1ee: {  	_ =	swait.ge [sflag:s19], $0x2000  }
0x1ef: {  	[sflag:s19] =	ssyncset.done $0x0  }
0x1f0: {  	s1 =	rddreg [dreg:$0x17];
	[sflag:s19] =	ssyncadd.s32 $0xFFFFE000  }
0x1f1: {  	[spmem:s2] =	stream.indirect.scatter.add.f32 [tilespmem:s12], [sflag:$0x5], $0x10, s1, s7, $0xb8;
	[tilespmem:$0xF800] =	vst v63  }
0x1f2: {  	_ =	swait.ge [sflag:s14], $0x2000  }
0x1f3: {  	[sflag:s14] =	ssyncset.done $0x0  }
0x1f4: {  	s30 =	rddreg [dreg:$0x18];
	[sflag:s14] =	ssyncadd.s32 $0xFFFFE000  }
0x1f5: {  	[tilespmem:s8], [sflag:$0x3] =	stream.indirect.gather [hbm4b:s4+s7], $0x10, s30, s7, $0xb8;
	[tilespmem:$0xF800] =	vst v63  }
0x1f6: {  	_ =	swait.ge [sflag:s17], $0x2000  }
0x1f7: {  	[sflag:s17] =	ssyncset.done $0x0  }
0x1f8: {  	s31 =	rddreg [dreg:$0x19];
	[sflag:s17] =	ssyncadd.s32 $0xFFFFE000  }
0x1f9: {  	[spmem:s2] =	stream.indirect.scatter.add.f32 [tilespmem:s9], [sflag:$0x6], $0x10, s31, s7, $0xb8;
	[tilespmem:$0xF800] =	vst v63  }
0x1fa: {  	_ =	swait.ge [sflag:s15], $0x2000  }
0x1fb: {  	[sflag:s15] =	ssyncset.done $0x0  }
0x1fc: {  	s1 =	rddreg [dreg:$0x1a];
	[sflag:s15] =	ssyncadd.s32 $0xFFFFE000  }
0x1fd: {  	[tilespmem:s10], [sflag:$0x4] =	stream.indirect.gather [hbm4b:s4+s7], $0x10, s1, s7, $0xb8;
	[tilespmem:$0xF800] =	vst v63  }
0x1fe: {  	_ =	swait.ge [sflag:s16], $0x2000  }
0x1ff: {  	[sflag:s16] =	ssyncset.done $0x0  }
0x200: {  	s30 =	rddreg [dreg:$0x1b];
	[sflag:s16] =	ssyncadd.s32 $0xFFFFE000  }
0x201: {  	[spmem:s2] =	stream.indirect.scatter.add.f32 [tilespmem:s8], [sflag:$0x7], $0x10, s30, s7, $0xb8;
	[tilespmem:$0xF800] =	vst v63  }
0x202: {  	_ =	swait.ge [sflag:s11], $0x2000  }
0x203: {  	[sflag:s11] =	ssyncset.done $0x0  }
0x204: {  	s31 =	rddreg [dreg:$0x1c];
	[sflag:s11] =	ssyncadd.s32 $0xFFFFE000  }
0x205: {  	[tilespmem:s12], [sflag:$0x1] =	stream.indirect.gather [hbm4b:s4+s7], $0x10, s31, s7, $0xb8;
	[tilespmem:$0xF800] =	vst v63  }
0x206: {  	_ =	swait.ge [sflag:s18], $0x2000  }
0x207: {  	[sflag:s18] =	ssyncset.done $0x0  }
0x208: {  	s1 =	rddreg [dreg:$0x1d];
	[sflag:s18] =	ssyncadd.s32 $0xFFFFE000  }
0x209: {  	[spmem:s2] =	stream.indirect.scatter.add.f32 [tilespmem:s10], [sflag:$0x8], $0x10, s1, s7, $0xb8;
	[tilespmem:$0xF800] =	vst v63  }
0x20a: {  	_ =	swait.ge [sflag:s13], $0x2000  }
0x20b: {  	[sflag:s13] =	ssyncset.done $0x0  }
0x20c: {  	s30 =	rddreg [dreg:$0x1e];
	[sflag:s13] =	ssyncadd.s32 $0xFFFFE000  }
0x20d: {  	[tilespmem:s9], [sflag:$0x2] =	stream.indirect.gather [hbm4b:s4+s7], $0x10, s30, s7, $0xb8;
	[tilespmem:$0xF800] =	vst v63  }
0x20e: {  	_ =	swait.ge [sflag:s19], $0x2000  }
0x20f: {  	[sflag:s19] =	ssyncset.done $0x0  }
0x210: {  	s31 =	rddreg [dreg:$0x1f];
	[sflag:s19] =	ssyncadd.s32 $0xFFFFE000  }
0x211: {  	[spmem:s2] =	stream.indirect.scatter.add.f32 [tilespmem:s12], [sflag:$0x5], $0x10, s31, s7, $0xb8;
	[tilespmem:$0xF800] =	vst v63  }
0x212: {  	_ =	swait.ge [sflag:s14], $0x2000  }
0x213: {  	s1 =	sld [smem:$0x7FA]  }
0x214: {  	[sflag:s14] =	ssyncset.done $0x0  }
0x215: {  	[sflag:s14] =	ssyncadd.s32 $0xFFFFE000  }
0x216: {  	[tilespmem:s8], [sflag:$0x3] =	stream.indirect.gather [hbm4b:s4+s7], $0x10, s1, s7, $0xb8;
	[tilespmem:$0xF800] =	vst v63  }
0x217: {  	_ =	swait.ge [sflag:s17], $0x2000  }
0x218: {  	s30 =	sld [smem:$0x7FB]  }
0x219: {  	[sflag:s17] =	ssyncset.done $0x0  }
0x21a: {  	[sflag:s17] =	ssyncadd.s32 $0xFFFFE000  }
0x21b: {  	[spmem:s2] =	stream.indirect.scatter.add.f32 [tilespmem:s9], [sflag:$0x6], $0x10, s30, s7, $0xb8;
	[tilespmem:$0xF800] =	vst v63  }
0x21c: {  	_ =	swait.ge [sflag:s15], $0x2000  }
0x21d: {  	s31 =	sld [smem:$0x7FC]  }
0x21e: {  	[sflag:s15] =	ssyncset.done $0x0  }
0x21f: {  	[sflag:s15] =	ssyncadd.s32 $0xFFFFE000  }
0x220: {  	[tilespmem:s10], [sflag:$0x4] =	stream.indirect.gather [hbm4b:s4+s7], $0x10, s31, s7, $0xb8;
	[tilespmem:$0xF800] =	vst v63  }
0x221: {  	_ =	swait.ge [sflag:s16], $0x2000  }
0x222: {  	s1 =	sld [smem:$0x7FD]  }
0x223: {  	[sflag:s16] =	ssyncset.done $0x0  }
0x224: {  	[sflag:s16] =	ssyncadd.s32 $0xFFFFE000  }
0x225: {  	[spmem:s2] =	stream.indirect.scatter.add.f32 [tilespmem:s8], [sflag:$0x7], $0x10, s1, s7, $0xb8;
	[tilespmem:$0xF800] =	vst v63  }
0x226: {  	_ =	swait.ge [sflag:s11], $0x2000  }
0x227: {  	[sflag:s11] =	ssyncset.done $0x0  }
0x228: {  	[sflag:s11] =	ssyncadd.s32 $0xFFFFE000  }
0x229: {  	[tilespmem:s12], [sflag:$0x1] =	stream.indirect.gather [hbm4b:s4+s7], $0x10, s21, s7, $0xb8;
	[tilespmem:$0xF800] =	vst v63  }
0x22a: {  	_ =	swait.ge [sflag:s18], $0x2000  }
0x22b: {  	[sflag:s18] =	ssyncset.done $0x0  }
0x22c: {  	[sflag:s18] =	ssyncadd.s32 $0xFFFFE000  }
0x22d: {  	[spmem:s2] =	stream.indirect.scatter.add.f32 [tilespmem:s10], [sflag:$0x8], $0x10, s29, s7, $0xb8;
	[tilespmem:$0xF800] =	vst v63  }
0x22e: {  	_ =	swait.ge [sflag:s13], $0x2000  }
0x22f: {  	[sflag:s13] =	ssyncset.done $0x0  }
0x230: {  	[sflag:s13] =	ssyncadd.s32 $0xFFFFE000  }
0x231: {  	[tilespmem:s9], [sflag:$0x2] =	stream.indirect.gather [hbm4b:s4+s7], $0x10, s26, s7, $0xb8;
	[tilespmem:$0xF800] =	vst v63  }
0x232: {  	_ =	swait.ge [sflag:s19], $0x2000  }
0x233: {  	[sflag:s19] =	ssyncset.done $0x0  }
0x234: {  	[sflag:s19] =	ssyncadd.s32 $0xFFFFE000  }
0x235: {  	[spmem:s2] =	stream.indirect.scatter.add.f32 [tilespmem:s12], [sflag:$0x5], $0x10, s28, s7, $0xb8;
	[tilespmem:$0xF800] =	vst v63  }
0x236: {  	_ =	swait.ge [sflag:s14], $0x2000  }
0x237: {  	[sflag:s14] =	ssyncset.done $0x0  }
0x238: {  	[sflag:s14] =	ssyncadd.s32 $0xFFFFE000  }
0x239: {  	[tilespmem:s8], [sflag:$0x3] =	stream.indirect.gather [hbm4b:s4+s7], $0x10, s25, s7, $0xb8;
	[tilespmem:$0xF800] =	vst v63  }
0x23a: {  	_ =	swait.ge [sflag:s17], $0x2000  }
0x23b: {  	[sflag:s17] =	ssyncset.done $0x0  }
0x23c: {  	[sflag:s17] =	ssyncadd.s32 $0xFFFFE000  }
0x23d: {  	[spmem:s2] =	stream.indirect.scatter.add.f32 [tilespmem:s9], [sflag:$0x6], $0x10, s24, s7, $0xb8;
	[tilespmem:$0xF800] =	vst v63  }
0x23e: {  	_ =	swait.ge [sflag:s15], $0x2000  }
0x23f: {  	[sflag:s15] =	ssyncset.done $0x0  }
0x240: {  	[sflag:s15] =	ssyncadd.s32 $0xFFFFE000  }
0x241: {  	[tilespmem:s10], [sflag:$0x4] =	stream.indirect.gather [hbm4b:s4+s7], $0x10, s23, s7, $0xb8;
	[tilespmem:$0xF800] =	vst v63  }
0x242: {  	_ =	swait.ge [sflag:s16], $0x2000  }
0x243: {  	[sflag:s16] =	ssyncset.done $0x0  }
0x244: {  	[sflag:s16] =	ssyncadd.s32 $0xFFFFE000  }
0x245: {  	[spmem:s2] =	stream.indirect.scatter.add.f32 [tilespmem:s8], [sflag:$0x7], $0x10, s22, s7, $0xb8;
	[tilespmem:$0xF800] =	vst v63  }
0x246: {  	_ =	swait.ge [sflag:s18], $0x2000  }
0x247: {  	[sflag:s18] =	ssyncset.done $0x0  }
0x248: {  	s30 =	simm.s32 $0x4E00;
	[sflag:s18] =	ssyncadd.s32 $0xFFFFE000  }
0x249: {  	[spmem:s2] =	stream.indirect.scatter.add.f32 [tilespmem:s10], [sflag:$0x8], $0x10, s30, s7, $0xb8;
	[tilespmem:$0xF800] =	vst v63  }
0x24a: {  	_ =	swait.ge [sflag:s11], $0x2000  }
0x24b: {  	[sflag:s11] =	ssyncset.done $0x0  }
0x24c: {  	[sflag:s11] =	ssyncadd.s32 $0xFFFFE000  }
0x24d: {  	_ =	swait.ge [sflag:s13], $0x2000  }
0x24e: {  	[sflag:s13] =	ssyncset.done $0x0  }
0x24f: {  	[sflag:s13] =	ssyncadd.s32 $0xFFFFE000  }
0x250: {  	_ =	swait.ge [sflag:s14], $0x2000  }
0x251: {  	[sflag:s14] =	ssyncset.done $0x0  }
0x252: {  	[sflag:s14] =	ssyncadd.s32 $0xFFFFE000  }
0x253: {  	_ =	swait.ge [sflag:s15], $0x2000  }
0x254: {  	[sflag:s15] =	ssyncset.done $0x0  }
0x255: {  	[sflag:s15] =	ssyncadd.s32 $0xFFFFE000  }
0x256: {  	[bflag:$0x0] =	sbarrier.arrive $0xFFFF  }
0x257: {  	s31 =	rddreg [dreg:$0x7]  }
0x258: {  	[hbm:s31], [sflag:s3] =	dma.local [spmem:s5], $0x500  }
0x259: {  	_ =	swait.ge [sflag:s6], $0x500  }
0x25a: {  	[sflag:s6] =	ssyncset.done $0x0  }
0x25b: {  	[sflag:s6] =	ssyncadd.s32 $0xFFFFFB00  }
0x25c: {  	_ =	sfence.sel $0x180000  }
0x25d: {  	[bflag:$0x0] =	sbarrier.arrive $0xFFFF  }
0x25e: {  	_ =	strace $0x9000004A  }
0x25f: {  	[bflag:$0x2] =	sbarrier.arrive $0xFFFF  }
0x260: {  	p0 =	sne.s32 s20, $0x0;
	s0 =	rddreg [dreg:$0x3]  }
0x261: {  	s0 =	sadd.s32 @!p0 $0x100000, s0  }
0x262: {  	[sflag:s0] =	ssyncadd.tile.s32 @!p0 $0x1;
	_ =	shalt  }
.LBB2_1:
.Ltmp3:
0x263: {  	(pc) =	sbr.rel .LBB2_6-.Ltmp3, $4  }
0x264: {  	_ = 	snop  }
0x265: {  	s21 =	simm.s32 $0x2000;
	s29 =	simm.s32 $0x4600  }
0x266: {  	s28 =	simm.s32 $0x4800;
	s26 =	simm.s32 $0x2200;
	s25 =	simm.s32 $0x2400  }
0x267: {  	s24 =	simm.s32 $0x4A00;
	s23 =	simm.s32 $0x2600;
	s22 =	simm.s32 $0x4C00  }
.LBB2_3:
.Ltmp4:
0x268: {  	(pc) =	sbr.rel .LBB2_6-.Ltmp4, $4  }
0x269: {  	_ = 	snop  }
0x26a: {  	s21 =	simm.s32 $0x2000;
	s29 =	simm.s32 $0x4600;
	s28 =	simm.s32 $0x4800  }
0x26b: {  	s26 =	simm.s32 $0x2200;
	s25 =	simm.s32 $0x2400;
	s24 =	simm.s32 $0x4A00  }
0x26c: {  	s23 =	simm.s32 $0x2600;
	s22 =	simm.s32 $0x4C00;
	s20 =	stileid.u32  }
.Lfunc_end2:
_tile_overlayer_lowered:
.L_overlay_start_2:
0x26d: {  	(tag) =	ssettag $0x2  }
0x26e: {  	s0 =	rddreg [dreg:$0x0];
	s2 =	stileid.u32  }
0x26f: {  	s1 =	rddreg [dreg:$0x1];
	p0 =	sne.s32 s2, $0x0  }
0x270: {  	s3 =	rddreg [dreg:$0x2];
	[bflag:$0x3] =	sbarrier.arrive $0xFFFF;
	s2 =	simm.s32 @!p0 $0x1C09  }
0x271: {  	[timem:s3], [sflag:s2] =	dma.local @!p0 [hbm:s0], s1  }
0x272: {  	s0 =	simm.s32 @!p0 $0x9  }
0x273: {  	_ =	swait.ge @!p0 [sflag:s0], s1  }
0x274: {  	s1 =	ssub.s32 @!p0 $0x0, s1;
	[sflag:s0] =	ssyncset.done @!p0 $0x0  }
0x275: {  	[sflag:s0] =	ssyncadd.s32 @!p0 s1  }
0x276: {  	[bflag:$0x3] =	sbarrier.arrive $0xFFFF  }
0x277: {  	_ =	shalt  }

// kernel: kernel.7.cloned.1.call-start
scs
__scs_entry_jumppad:
0x0: {  	(pc) =	sbr.rel $0x88, $3  }
0x1: {  	(tag) =	ssettag $0x0;
	lr =	simm.s32 $0x1  }
0x2: {  	[smem:$0x3F9B] =	sst lr;
	_ =	strace $0xD0000000  }
0x3: {  	_ = 	snop  }
0x4: {  	_ = 	snop  }
0x5: {  	_ = 	snop  }
0x6: {  	_ = 	snop  }
0x7: {  	_ = 	snop  }
__scs_overlays_trampoline_lowered:
0x8: {  	[smem:$0x3FAA] =	sst s0  }
0x9: {  	[smem:$0x3FAB] =	sst s1  }
0xa: {  	[smem:$0x3FAC] =	sst s2  }
0xb: {  	[smem:$0x3FAD] =	sst s3  }
0xc: {  	[smem:$0x3FAE] =	sst s4  }
0xd: {  	[smem:$0x3FAF] =	sst s5  }
0xe: {  	[smem:$0x3FB0] =	sst s6  }
0xf: {  	[smem:$0x3FB1] =	sst s7  }
0x10: {  	[smem:$0x3FB2] =	sst s8  }
0x11: {  	[smem:$0x3FB3] =	sst s9;
	s0 =	simm.s32 @!p0 $0x0  }
0x12: {  	s1 =	sld [smem:$0x3F99];
	s0 =	simm.s32 @p0 $0x1  }
0x13: {  	[smem:$0x3FB4] =	sst s0;
	s0 =	simm.s32 @!p1 $0x0  }
0x14: {  	s2 =	sld [smem:$0x3F98];
	s0 =	simm.s32 @p1 $0x1  }
0x15: {  	[smem:$0x3FB5] =	sst s0;
	s0 =	simm.s32 @!p2 $0x0  }
0x16: {  	s3 =	sld [smem:$0x3FDB];
	s0 =	simm.s32 @p2 $0x1  }
0x17: {  	s4 =	simm.s32 $0x1BF5;
	[smem:$0x3FB7] =	sst s0  }
0x18: {  	s0 =	sld [smem:$0x3F9A];
	_ =	swait.ge [sflag:s4], $0x0  }
0x19: {  	s7 =	sld [smem:$0x3F9B]  }
0x1a: {  	s8 =	sadd.s32 $0xFFFFE003, lr  }
0x1b: {  	s9 =	sadd.s32 $0xFFFFFEF7, lr;
	s5 =	simm.s32 $0xFFFFFFFF;
	p2 =	slt.u32 s8, $0xFFFFF086  }
0x1c: {  	p1 =	slt.u32 s9, $0xF7A;
	s5 =	simm.s32 @!p2 $0x0  }
0x1d: {  	s5 =	simm.s32 @p1 $0x1;
	p0 =	seq.s32 s7, s2  }
0x1e: {  	s7 =	smul.u32 @!p0 $0xF7A, s2;
	p2 =	seq.s32 @!p0 s5, $0x0  }
0x1f: {  	s9 =	smul.u32 $0xF7A, s1;
	s8 =	simm.s32 @!p0 $0x1BF5;
	p2 =	por !p2, p0  }
0x20: {  	[sflag:s8] =	ssyncset.s32 @!p0 $0xFFFFF086;
	s6 =	sadd.s32 @!p0 s3, s7;
	s7 =	simm.s32 @!p0 $0x108  }
0x21: {  	s3 =	sadd.s32 s3, s9;
	s6 =	sadd.s32 @!p0 $0x88, s6;
	s7 =	simm.s32 @p2 $0x1082  }
0x22: {  	[simem:s7], [sflag:s8] =	dma.local @!p0 [hbm:s6], $0xF7A  }
0x23: {  	s9 =	sor.u32 $0xD0000000, s2;
	s6 =	simm.s32 $0x108;
	_ =	swait.ge @!p0 [sflag:s8], $0x0  }
0x24: {  	s3 =	sadd.s32 $0x88, s3;
	s6 =	simm.s32 @!p1 $0x1082;
	[sflag:s4] =	ssyncset.s32 $0xFFFFF086  }
0x25: {  	[simem:s6], [sflag:s4] =	dma.local [hbm:s3], $0xF7A  }
0x26: {  	[smem:$0x3F9B] =	sst s1;
	(tag) =	ssettag s2;
	_ =	strace s9  }
0x27: {  	s1 =	sld [smem:$0x3FAB]  }
0x28: {  	s2 =	sld [smem:$0x3FAC]  }
0x29: {  	s4 =	sld [smem:$0x3FAE]  }
0x2a: {  	p0 =	seq.s32 s5, $0x0;
	s5 =	sld [smem:$0x3FAF]  }
0x2b: {  	s6 =	sld [smem:$0x3FB0]  }
0x2c: {  	s7 =	sld [smem:$0x3FB1]  }
0x2d: {  	s3 =	simm.s32 $0x108;
	s8 =	sld [smem:$0x3FB2]  }
0x2e: {  	s3 =	simm.s32 @!p0 $0x1082;
	s9 =	sld [smem:$0x3FB3]  }
0x2f: {  	lr =	sadd.s32 s0, s3;
	s0 =	sld [smem:$0x3FAA]  }
0x30: {  	s3 =	sld [smem:$0x3FAD]  }
0x31: {  	[smem:$0x3FB6] =	sst s10  }
0x32: {  	s10 =	sld [smem:$0x3FB4];
	_ =	sdelay $0x3  }
0x33: {  	p0 =	seq.s32 s10, $0x1;
	s10 =	sld [smem:$0x3FB6];
	_ =	sdelay $0x3  }
0x34: {  	[smem:$0x3FB6] =	sst s10  }
0x35: {  	s10 =	sld [smem:$0x3FB5];
	_ =	sdelay $0x3  }
0x36: {  	p1 =	seq.s32 s10, $0x1;
	s10 =	sld [smem:$0x3FB6];
	_ =	sdelay $0x3  }
0x37: {  	[smem:$0x3FB6] =	sst s10  }
0x38: {  	s10 =	sld [smem:$0x3FB7]  }
0x39: {  	_ = 	snop;
	(pc) =	sbr.ind lr, $3  }
0x3a: {  	_ = 	snop  }
0x3b: {  	_ = 	snop  }
0x3c: {  	p2 =	seq.s32 s10, $0x1;
	s10 =	sld [smem:$0x3FB6]  }
0x3d: {  	_ =	shalt  }
0x3e: {  	_ =	shalt  }
0x3f: {  	_ =	shalt  }
0x40: {  	_ =	shalt  }
0x41: {  	_ =	shalt  }
0x42: {  	_ =	shalt  }
0x43: {  	_ =	shalt  }
0x44: {  	_ =	shalt  }
0x45: {  	_ =	shalt  }
0x46: {  	_ =	shalt  }
0x47: {  	_ =	shalt  }
0x48: {  	_ =	shalt  }
0x49: {  	_ =	shalt  }
0x4a: {  	_ =	shalt  }
0x4b: {  	_ =	shalt  }
0x4c: {  	_ =	shalt  }
0x4d: {  	_ =	shalt  }
0x4e: {  	_ =	shalt  }
0x4f: {  	_ =	shalt  }
0x50: {  	_ =	shalt  }
0x51: {  	_ =	shalt  }
0x52: {  	_ =	shalt  }
0x53: {  	_ =	shalt  }
0x54: {  	_ =	shalt  }
0x55: {  	_ =	shalt  }
0x56: {  	_ =	shalt  }
0x57: {  	_ =	shalt  }
0x58: {  	_ =	shalt  }
0x59: {  	_ =	shalt  }
0x5a: {  	_ =	shalt  }
0x5b: {  	_ =	shalt  }
0x5c: {  	_ =	shalt  }
0x5d: {  	_ =	shalt  }
0x5e: {  	_ =	shalt  }
0x5f: {  	_ =	shalt  }
0x60: {  	_ =	shalt  }
0x61: {  	_ =	shalt  }
0x62: {  	_ =	shalt  }
0x63: {  	_ =	shalt  }
0x64: {  	_ =	shalt  }
0x65: {  	_ =	shalt  }
0x66: {  	_ =	shalt  }
0x67: {  	_ =	shalt  }
0x68: {  	_ =	shalt  }
0x69: {  	_ =	shalt  }
0x6a: {  	_ =	shalt  }
0x6b: {  	_ =	shalt  }
0x6c: {  	_ =	shalt  }
0x6d: {  	_ =	shalt  }
0x6e: {  	_ =	shalt  }
0x6f: {  	_ =	shalt  }
0x70: {  	_ =	shalt  }
0x71: {  	_ =	shalt  }
0x72: {  	_ =	shalt  }
0x73: {  	_ =	shalt  }
0x74: {  	_ =	shalt  }
0x75: {  	_ =	shalt  }
0x76: {  	_ =	shalt  }
0x77: {  	_ =	shalt  }
0x78: {  	_ =	shalt  }
0x79: {  	_ =	shalt  }
0x7a: {  	_ =	shalt  }
0x7b: {  	_ =	shalt  }
0x7c: {  	_ =	shalt  }
0x7d: {  	_ =	shalt  }
0x7e: {  	_ =	shalt  }
0x7f: {  	_ =	shalt  }
0x80: {  	_ =	shalt  }
0x81: {  	_ =	shalt  }
0x82: {  	_ =	shalt  }
0x83: {  	_ =	shalt  }
0x84: {  	_ =	shalt  }
0x85: {  	_ =	shalt  }
0x86: {  	_ =	shalt  }
0x87: {  	_ =	shalt  }
.Lfunc_end0:
.L_simem_size_0:
called_computation_lowered:
.L_overlay_start_0:
0x88: {  	s2 =	sld [smem:$0x3FD9]  }
0x89: {  	s3 =	sld [smem:$0x3FFE];
	_ =	sdelay $0x1  }
0x8a: {  	s1 =	srdreg.scid  }
0x8b: {  	s0 =	sand.u32 $0x1, s1  }
0x8c: {  	s17 =	sshll.u32 s0, $0xA;
	s2 =	sadd.s32 s3, s2  }
0x8d: {  	s2 =	sadd.s32 s2, s17  }
0x8e: {  	[smem:$0x3FC2] =	sst s2  }
0x8f: {  	_ = 	snop  }
0x90: {  	s2 =	sld [smem:$0x3FD0];
	(tm) =	ssettm $0x1  }
0x91: {  	s18 =	sld [smem:$0x3FFB];
	_ =	sdelay $0x3  }
0x92: {  	_ =	strace s18  }
0x93: {  	s3 =	sld [smem:$0x3FFC];
	_ =	sdelay $0x3  }
0x94: {  	_ =	strace s3  }
0x95: {  	s3 =	sld [smem:$0x3FFD];
	_ =	sdelay $0x3  }
0x96: {  	_ =	strace s3  }
0x97: {  	_ =	strace $0x8FFFFFFF  }
0x98: {  	s19 =	sld [smem:$0x3FDB];
	_ =	sdelay $0x1  }
0x99: {  	s4 =	simm.s32 $_scs_section_size  }
0x9a: {  	s5 =	simm.s32 $_size__tile_overlayer_lowered;
	s6 =	simm.s32 $_tile_overlayer_lowered  }
0x9b: {  	s22 =	simm.s32 $0x1BFF;
	s21 =	sshll.u32 s6, $0x1;
	s3 =	sadd.s32 s4, s19  }
0x9c: {  	s7 =	simm.s32 $0x0;
	s20 =	sshll.u32 s5, $0x1;
	s5 =	sadd.s32 s21, s3  }
0x9d: {  	[timem:s7], [sflag:s22] =	dma.local [hbm:s5], s20  }
0x9e: {  	_ =	swait.ge [sflag:s22], s20  }
0x9f: {  	s4 =	ssub.s32 $0x0, s20;
	[sflag:s22] =	ssyncset.done $0x0  }
0xa0: {  	[sflag:s22] =	ssyncadd.s32 s4;
	_ =	sdelay $0x1  }
0xa1: {  	s23 =	simm.s32 $0x1B8B  }
0xa2: {  	_ =	swait.ge [sflag:s23], $0x1  }
0xa3: {  	[sflag:s23] =	ssyncset.done $0x0  }
0xa4: {  	s25 =	simm.s32 $0x1B8E;
	s24 =	sld [smem:$0x3FFE];
	[sflag:s23] =	ssyncadd.s32 $0xFFFFFFFF  }
0xa5: {  	s26 =	simm.s32 $execute0_lowered;
	[smem:$0x3FD2] =	sst s25  }
0xa6: {  	s5 =	sshll.u32 s26, $0x1;
	_ =	strace $0x80000046;
	[dreg:$0x1] =	wrdreg $0xFFFFFFFF  }
0xa7: {  	s28 =	simm.s32 $_size_execute0_lowered;
	s3 =	sadd.s32 s3, s5;
	[dreg:$0x0] =	wrdreg $0x0  }
0xa8: {  	s5 =	sshll.u32 s28, $0x1;
	[dreg:$0x2] =	wrdreg s3  }
0xa9: {  	[dreg:$0x3] =	wrdreg s5  }
0xaa: {  	[dreg:$0x4] =	wrdreg $0xC0  }
0xab: {  	_ =	task [dreg:s7], $0x5FFFF  }
0xac: {  	[dreg:$0x1] =	wrdreg $0xFFFFFFFF  }
0xad: {  	[dreg:$0x0] =	wrdreg $0x60  }
0xae: {  	[dreg:$0x2] =	wrdreg s24  }
0xaf: {  	[dreg:$0x3] =	wrdreg s2  }
0xb0: {  	[dreg:$0x4] =	wrdreg $0xD0000  }
0xb1: {  	[dreg:$0x5] =	wrdreg $0x118000  }
0xb2: {  	[dreg:$0x6] =	wrdreg $0x9  }
0xb3: {  	_ =	task.clear_ibuf [dreg:s7], $0x7FFFF;
	_ =	strace $0x90000046  }
0xb4: {  	s29 =	simm.s32 $0x9;
	_ =	strace $0x80000048  }
0xb5: {  	_ =	swait.ge [sflag:s29], $0x1  }
0xb6: {  	[sflag:s29] =	ssyncadd.s32 $0xFFFFFFFF  }
0xb7: {  	_ =	strace $0x90000048  }
0xb8: {  	_ =	sfence  }
0xb9: {  	s30 =	sld [smem:$0x0];
	_ =	sdelay $0x2  }
0xba: {  	s31 =	sshll.u32 s1, $0xD;
	s1 =	sshrl.u32 s1, $0x2  }
0xbb: {  	s3 =	sand.u32 $0x4000, s31;
	s1 =	sadd.s32 s1, s30  }
0xbc: {  	s0 =	sor.u32 s3, s0;
	s1 =	sshll.u32 s1, $0x11  }
0xbd: {  	s0 =	sor.u32 s1, s0  }
0xbe: {  	s0 =	sadd.s32 $0x8F2B, s0  }
0xbf: {  	[sflag:s0] =	ssyncadd.remote.s32 $0x1  }
0xc0: {  	_ =	sfence.sel $0xFFFF  }
0xc1: {  	[dreg:$0x0] =	wrdreg $0xFFFFFFFF;
	(pc) =	sbr.abs _section_cstart, $3  }
0xc2: {  	[dreg:$0x1] =	wrdreg $0xFFFFFFFF  }
0xc3: {  	_ =	task.clear_ibuf [dreg:s7], $0x2FFFF;
	_ =	strace $0x9FFFFFFF  }
0xc4: {  	(tm) =	ssettm $0x7FFFFFFF  }
0xc5: {  	_ =	shalt  }
tec
execute0_lowered:
.L_overlay_start_1:
0x0: {  	(tag) =	ssettag $0x1  }
0x1: {  	s0 =	srdreg.scid;
	s1 =	rddreg [dreg:$0x0]  }
0x2: {  	s6 =	rddreg [dreg:$0x1];
	s13 =	stileid.u32  }
0x3: {  	s2 =	rddreg [dreg:$0x2];
	s15 =	simm.s32 $0x9;
	s17 =	simm.s32 $0xF800  }
0x4: {  	s18 =	simm.s32 $0x2800;
	s19 =	simm.s32 $0x200;
	s20 =	simm.s32 $0x5000  }
0x5: {  	s21 =	simm.s32 $0x7000;
	s22 =	simm.s32 $0x1;
	s29 =	simm.s32 $0xB000  }
0x6: {  	s30 =	simm.s32 $0x3;
	s31 =	simm.s32 $0x2C00;
	s28 =	simm.s32 $0x2E00  }
0x7: {  	s0 =	sand.u32 $0x1, s0;
	s10 =	smul.u32 $0x2800, s13;
	s5 =	sadd.s32 $0x1200, s1  }
0x8: {  	s14 =	sadd.s32 $0x10200, s1;
	s24 =	sshll.u32 s13, $0x6;
	s3 =	sshll.u32 s0, $0x4  }
0x9: {  	s7 =	smul.u32 $0x28000, s0;
	s0 =	ssub.s32 $0x2, s0;
	s4 =	sor.u32 s13, s3  }
0xa: {  	s3 =	rddreg [dreg:$0x3];
	s8 =	sshrl.u32 s10, $0x3;
	s12 =	sshrl.u32 s0, $0x1  }
0xb: {  	s23 =	sadd.s32 s10, s2;
	s9 =	smul.u32 $0x500, s4;
	s4 =	simm.s32 $0x0  }
0xc: {  	s7 =	sadd.s32 s10, s7;
	s8 =	sadd.s32 s8, s1;
	s0 =	ssub.s32 s0, s12  }
0xd: {  	s10 =	sadd.s32 s10, s3;
	[smem:$0x7FF] =	sst s4;
	s7 =	sshrl.u32 s7, $0x3  }
0xe: {  	s0 =	smax.u32 s0, $0x1;
	s16 =	sshrl.u32 s10, $0x3;
	s10 =	simm.s32 $0x0  }
0xf: {  	_ =	strace $0x80000047;
	s11 =	sadd.s32 s9, s1;
	[dreg:$0x5] =	wrdreg s14  }
0x10: {  	s1 =	sadd.s32 s7, s1;
	s7 =	sadd.s32 $0x10600, s8;
	s8 =	sor.u32 $0x1C09, s24  }
0x11: {  	s6 =	sadd.s32 s6, s9;
	[dreg:$0xa] =	wrdreg s0;
	s14 =	sshrl.u32 s23, $0x3  }
.Ltmp0:
0x12: {  	s24 =	simm.s32 $0x9000;
	s23 =	simm.s32 $0x4;
	(pc) =	sbr.rel .LBB2_1-.Ltmp0, $4  }
0x13: {  	s0 =	simm.s32 $0x6;
	[dreg:$0x6] =	wrdreg s6;
	s25 =	sadd.s32 $0x6200, s11  }
0x14: {  	s9 =	simm.s32 $0x8;
	s26 =	sadd.s32 $0x1F600, s1;
	[dreg:$0x7] =	wrdreg s25  }
0x15: {  	s1 =	sadd.s32 $0x15600, s1;
	s6 =	simm.s32 $0x7;
	[dreg:$0x8] =	wrdreg s26  }
0x16: {  	[dreg:$0x9] =	wrdreg s1;
	s25 =	simm.s32 $0x2;
	s1 =	simm.s32 $0x5  }
.LBB2_4:
0x17: {  	_ =	swait.ge [sflag:s23], $0x2000  }
0x18: {  	[sflag:s23] =	ssyncset.done $0x0  }
0x19: {  	[sflag:s23] =	ssyncadd.s32 $0xFFFFE000  }
0x1a: {  	[spmem:s2] =	stream.indirect.scatter.add.f32 [tilespmem:s29], [sflag:$0x8], $0x10, s13, s19, $0xb8;
	[tilespmem:$0x14000] =	vst v63  }
0x1b: {  	_ = 	snop  }
0x1c: {  	[spmem:s3] =	stream.indirect.scatter.add.f32 [tilespmem:s17], [sflag:$0x8], $0x10, s13, s19, $0xb8;
	[tilespmem:$0x14000] =	vst v63  }
0x1d: {  	_ =	swait.ge [sflag:s1], $0x2000  }
0x1e: {  	[sflag:s1] =	ssyncset.done $0x0  }
0x1f: {  	[sflag:s1] =	ssyncadd.s32 $0xFFFFE000  }
0x20: {  	_ =	swait.ge [sflag:s1], $0x2000  }
0x21: {  	[sflag:s1] =	ssyncset.done $0x0  }
0x22: {  	[sflag:s1] =	ssyncadd.s32 $0xFFFFE000  }
0x23: {  	_ =	swait.ge [sflag:s0], $0x2000  }
0x24: {  	[sflag:s0] =	ssyncset.done $0x0  }
0x25: {  	[sflag:s0] =	ssyncadd.s32 $0xFFFFE000  }
0x26: {  	_ =	swait.ge [sflag:s0], $0x2000  }
0x27: {  	[sflag:s0] =	ssyncset.done $0x0  }
0x28: {  	[sflag:s0] =	ssyncadd.s32 $0xFFFFE000  }
0x29: {  	_ =	swait.ge [sflag:s6], $0x2000  }
0x2a: {  	[sflag:s6] =	ssyncset.done $0x0  }
0x2b: {  	[sflag:s6] =	ssyncadd.s32 $0xFFFFE000  }
0x2c: {  	_ =	swait.ge [sflag:s6], $0x2000  }
0x2d: {  	[sflag:s6] =	ssyncset.done $0x0  }
0x2e: {  	[sflag:s6] =	ssyncadd.s32 $0xFFFFE000  }
0x2f: {  	_ =	swait.ge [sflag:s9], $0x2000  }
0x30: {  	[sflag:s9] =	ssyncset.done $0x0  }
0x31: {  	[sflag:s9] =	ssyncadd.s32 $0xFFFFE000  }
0x32: {  	_ =	swait.ge [sflag:s9], $0x2000  }
0x33: {  	[sflag:s9] =	ssyncset.done $0x0  }
0x34: {  	[sflag:s9] =	ssyncadd.s32 $0xFFFFE000  }
0x35: {  	[bflag:$0x0] =	sbarrier.arrive $0xFFFF  }
0x36: {  	s11 =	rddreg [dreg:$0x8]  }
0x37: {  	[hbm:s11], [sflag:s8] =	dma.local [spmem:s14], $0x500  }
0x38: {  	_ =	swait.ge [sflag:s15], $0x500  }
0x39: {  	[sflag:s15] =	ssyncset.done $0x0  }
0x3a: {  	s13 =	rddreg [dreg:$0x9];
	[sflag:s15] =	ssyncadd.s32 $0xFFFFFB00  }
0x3b: {  	[hbm:s13], [sflag:s8] =	dma.local [spmem:s16], $0x500  }
0x3c: {  	_ =	swait.ge [sflag:s15], $0x500  }
0x3d: {  	s10 =	sadd.s32 $0x1, s10;
	s26 =	rddreg [dreg:$0xa]  }
0x3e: {  	p0 =	sne.s32 s10, s26  }
.Ltmp1:
0x3f: {  	_ = 	snop;
	(pc) =	sbr.rel @!p0 .LBB2_5-.Ltmp1, $3  }
0x40: {  	_ =	sdelay $0x1  }
0x41: {  	[sflag:s15] =	ssyncset.done $0x0  }
0x42: {  	[sflag:s15] =	ssyncadd.s32 $0xFFFFFB00  }
.LBB2_1:
0x43: {  	[spmem:s14], [sflag:s8] =	dma.local [hbm:s7], $0x500  }
0x44: {  	_ =	swait.ge [sflag:s15], $0x500  }
0x45: {  	[sflag:s15] =	ssyncset.done $0x0  }
0x46: {  	[sflag:s15] =	ssyncadd.s32 $0xFFFFFB00  }
0x47: {  	[spmem:s16], [sflag:s8] =	dma.local [hbm:s7], $0x500  }
0x48: {  	_ =	swait.ge [sflag:s15], $0x500  }
0x49: {  	[sflag:s15] =	ssyncset.done $0x0  }
0x4a: {  	s11 =	rddreg [dreg:$0x5];
	[sflag:s15] =	ssyncadd.s32 $0xFFFFFB00  }
0x4b: {  	[tilespmem:s17], [sflag:$0x9] =	stream.linear.gather [hbm4b:s11+s4], $0x2000, $0x38;
	[tilespmem:$0x14000] =	vst v63  }
0x4c: {  	_ =	swait.ge [sflag:s15], $0x2000  }
0x4d: {  	[sflag:s15] =	ssyncset.done $0x0  }
0x4e: {  	s26 =	rddreg [dreg:$0x6];
	[sflag:s15] =	ssyncadd.s32 $0xFFFFE000  }
0x4f: {  	[tilespmem:s4], [sflag:$0x9] =	stream.linear.gather [hbm4b:s26+s4], $0x2800, $0x38;
	[tilespmem:$0x14000] =	vst v63  }
0x50: {  	_ =	swait.ge [sflag:s15], $0x2800  }
0x51: {  	[sflag:s15] =	ssyncset.done $0x0  }
0x52: {  	s12 =	rddreg [dreg:$0x7];
	[sflag:s15] =	ssyncadd.s32 $0xFFFFD800  }
0x53: {  	[tilespmem:s18], [sflag:$0x9] =	stream.linear.gather [hbm4b:s12+s4], $0x2800, $0x38;
	[tilespmem:$0x14000] =	vst v63  }
0x54: {  	_ =	swait.ge [sflag:s15], $0x2800  }
0x55: {  	[sflag:s15] =	ssyncset.done $0x0  }
0x56: {  	[sflag:s15] =	ssyncadd.s32 $0xFFFFD800  }
0x57: {  	[bflag:$0x0] =	sbarrier.arrive $0xFFFF  }
0x58: {  	[tilespmem:s20], [sflag:$0x1] =	stream.indirect.gather [hbm4b:s5+s19], $0x10, s4, s19, $0xb8;
	[tilespmem:$0x14000] =	vst v63  }
0x59: {  	_ = 	snop  }
0x5a: {  	[tilespmem:s21], [sflag:$0x2] =	stream.indirect.gather [hbm4b:s5+s19], $0x10, s19, s19, $0xb8;
	[tilespmem:$0x14000] =	vst v63  }
0x5b: {  	_ =	swait.ge [sflag:s22], $0x2000  }
0x5c: {  	[sflag:s22] =	ssyncset.done $0x0  }
0x5d: {  	[sflag:s22] =	ssyncadd.s32 $0xFFFFE000  }
0x5e: {  	[spmem:s2] =	stream.indirect.scatter.add.f32 [tilespmem:s20], [sflag:$0x5], $0x10, s18, s19, $0xb8;
	[tilespmem:$0x14000] =	vst v63  }
0x5f: {  	_ = 	snop  }
0x60: {  	[spmem:s3] =	stream.indirect.scatter.add.f32 [tilespmem:s17], [sflag:$0x5], $0x10, s18, s19, $0xb8;
	[tilespmem:$0x14000] =	vst v63  }
0x61: {  	s13 =	simm.s32 $0x400  }
0x62: {  	[tilespmem:s24], [sflag:$0x3] =	stream.indirect.gather [hbm4b:s5+s19], $0x10, s13, s19, $0xb8;
	[tilespmem:$0x14000] =	vst v63  }
0x63: {  	_ =	swait.ge [sflag:s25], $0x2000  }
0x64: {  	[sflag:s25] =	ssyncset.done $0x0  }
0x65: {  	s26 =	simm.s32 $0x2A00;
	[sflag:s25] =	ssyncadd.s32 $0xFFFFE000  }
0x66: {  	[spmem:s2] =	stream.indirect.scatter.add.f32 [tilespmem:s21], [sflag:$0x6], $0x10, s26, s19, $0xb8;
	[tilespmem:$0x14000] =	vst v63  }
0x67: {  	_ = 	snop  }
0x68: {  	[spmem:s3] =	stream.indirect.scatter.add.f32 [tilespmem:s17], [sflag:$0x6], $0x10, s26, s19, $0xb8;
	[tilespmem:$0x14000] =	vst v63  }
0x69: {  	s12 =	simm.s32 $0x600  }
0x6a: {  	[tilespmem:s29], [sflag:$0x4] =	stream.indirect.gather [hbm4b:s5+s19], $0x10, s12, s19, $0xb8;
	[tilespmem:$0x14000] =	vst v63  }
0x6b: {  	_ =	swait.ge [sflag:s30], $0x2000  }
0x6c: {  	[sflag:s30] =	ssyncset.done $0x0  }
0x6d: {  	[sflag:s30] =	ssyncadd.s32 $0xFFFFE000  }
0x6e: {  	[spmem:s2] =	stream.indirect.scatter.add.f32 [tilespmem:s24], [sflag:$0x7], $0x10, s31, s19, $0xb8;
	[tilespmem:$0x14000] =	vst v63  }
0x6f: {  	_ = 	snop  }
0x70: {  	[spmem:s3] =	stream.indirect.scatter.add.f32 [tilespmem:s17], [sflag:$0x7], $0x10, s31, s19, $0xb8;
	[tilespmem:$0x14000] =	vst v63  }
0x71: {  	_ =	swait.ge [sflag:s1], $0x2000  }
0x72: {  	[sflag:s1] =	ssyncset.done $0x0  }
0x73: {  	[sflag:s1] =	ssyncadd.s32 $0xFFFFE000  }
0x74: {  	_ =	swait.ge [sflag:s1], $0x2000  }
0x75: {  	[sflag:s1] =	ssyncset.done $0x0  }
0x76: {  	s13 =	simm.s32 $0x800;
	[sflag:s1] =	ssyncadd.s32 $0xFFFFE000  }
0x77: {  	[tilespmem:s20], [sflag:$0x1] =	stream.indirect.gather [hbm4b:s5+s19], $0x10, s13, s19, $0xb8;
	[tilespmem:$0x14000] =	vst v63  }
0x78: {  	_ =	swait.ge [sflag:s23], $0x2000  }
0x79: {  	[sflag:s23] =	ssyncset.done $0x0  }
0x7a: {  	[sflag:s23] =	ssyncadd.s32 $0xFFFFE000  }
0x7b: {  	[spmem:s2] =	stream.indirect.scatter.add.f32 [tilespmem:s29], [sflag:$0x8], $0x10, s28, s19, $0xb8;
	[tilespmem:$0x14000] =	vst v63  }
0x7c: {  	_ = 	snop  }
0x7d: {  	[spmem:s3] =	stream.indirect.scatter.add.f32 [tilespmem:s17], [sflag:$0x8], $0x10, s28, s19, $0xb8;
	[tilespmem:$0x14000] =	vst v63  }
0x7e: {  	_ =	swait.ge [sflag:s0], $0x2000  }
0x7f: {  	[sflag:s0] =	ssyncset.done $0x0  }
0x80: {  	[sflag:s0] =	ssyncadd.s32 $0xFFFFE000  }
0x81: {  	_ =	swait.ge [sflag:s0], $0x2000  }
0x82: {  	[sflag:s0] =	ssyncset.done $0x0  }
0x83: {  	s11 =	simm.s32 $0x0;
	s26 =	simm.s32 $0xA00;
	[sflag:s0] =	ssyncadd.s32 $0xFFFFE000  }
0x84: {  	[tilespmem:s21], [sflag:$0x2] =	stream.indirect.gather [hbm4b:s5+s19], $0x10, s26, s19, $0xb8;
	[tilespmem:$0x14000] =	vst v63  }
.LBB2_2:
0x85: {  	_ =	swait.ge [sflag:s22], $0x2000  }
0x86: {  	s12 =	sshra.s32 s11, $0x2;
	[sflag:s22] =	ssyncset.done $0x0  }
0x87: {  	s13 =	sadd.s32 $0x3000, s12;
	[sflag:s22] =	ssyncadd.s32 $0xFFFFE000  }
0x88: {  	[spmem:s2] =	stream.indirect.scatter.add.f32 [tilespmem:s20], [sflag:$0x5], $0x10, s13, s19, $0xb8;
	[tilespmem:$0x14000] =	vst v63  }
0x89: {  	_ = 	snop  }
0x8a: {  	[spmem:s3] =	stream.indirect.scatter.add.f32 [tilespmem:s17], [sflag:$0x5], $0x10, s13, s19, $0xb8;
	[tilespmem:$0x14000] =	vst v63  }
0x8b: {  	_ =	swait.ge [sflag:s6], $0x2000  }
0x8c: {  	[sflag:s6] =	ssyncset.done $0x0  }
0x8d: {  	[sflag:s6] =	ssyncadd.s32 $0xFFFFE000  }
0x8e: {  	_ =	swait.ge [sflag:s6], $0x2000  }
0x8f: {  	[sflag:s6] =	ssyncset.done $0x0  }
0x90: {  	s26 =	sadd.s32 $0xC00, s12;
	[sflag:s6] =	ssyncadd.s32 $0xFFFFE000  }
0x91: {  	[tilespmem:s24], [sflag:$0x3] =	stream.indirect.gather [hbm4b:s5+s19], $0x10, s26, s19, $0xb8;
	[tilespmem:$0x14000] =	vst v63  }
0x92: {  	_ =	swait.ge [sflag:s25], $0x2000  }
0x93: {  	[sflag:s25] =	ssyncset.done $0x0  }
0x94: {  	s26 =	sadd.s32 $0x3200, s12;
	[sflag:s25] =	ssyncadd.s32 $0xFFFFE000  }
0x95: {  	[spmem:s2] =	stream.indirect.scatter.add.f32 [tilespmem:s21], [sflag:$0x6], $0x10, s26, s19, $0xb8;
	[tilespmem:$0x14000] =	vst v63  }
0x96: {  	_ = 	snop  }
0x97: {  	[spmem:s3] =	stream.indirect.scatter.add.f32 [tilespmem:s17], [sflag:$0x6], $0x10, s26, s19, $0xb8;
	[tilespmem:$0x14000] =	vst v63  }
0x98: {  	_ =	swait.ge [sflag:s9], $0x2000  }
0x99: {  	[sflag:s9] =	ssyncset.done $0x0  }
0x9a: {  	[sflag:s9] =	ssyncadd.s32 $0xFFFFE000  }
0x9b: {  	_ =	swait.ge [sflag:s9], $0x2000  }
0x9c: {  	[sflag:s9] =	ssyncset.done $0x0  }
0x9d: {  	s26 =	sadd.s32 $0xE00, s12;
	[sflag:s9] =	ssyncadd.s32 $0xFFFFE000  }
0x9e: {  	[tilespmem:s29], [sflag:$0x4] =	stream.indirect.gather [hbm4b:s5+s19], $0x10, s26, s19, $0xb8;
	[tilespmem:$0x14000] =	vst v63  }
0x9f: {  	p0 =	seq.s32 s11, $0x6000;
	_ =	swait.ge [sflag:s30], $0x2000  }
.Ltmp2:
0xa0: {  	[sflag:s30] =	ssyncset.done $0x0;
	(pc) =	sbr.rel @p0 .LBB2_4-.Ltmp2, $4  }
0xa1: {  	s26 =	sadd.s32 $0x3400, s12;
	[sflag:s30] =	ssyncadd.s32 $0xFFFFE000  }
0xa2: {  	[spmem:s2] =	stream.indirect.scatter.add.f32 [tilespmem:s24], [sflag:$0x7], $0x10, s26, s19, $0xb8;
	[tilespmem:$0x14000] =	vst v63  }
0xa3: {  	s13 =	sadd.s32 $0x3600, s12  }
0xa4: {  	[spmem:s3] =	stream.indirect.scatter.add.f32 [tilespmem:s17], [sflag:$0x7], $0x10, s26, s19, $0xb8;
	[tilespmem:$0x14000] =	vst v63  }
0xa5: {  	_ =	swait.ge [sflag:s1], $0x2000  }
0xa6: {  	[sflag:s1] =	ssyncset.done $0x0  }
0xa7: {  	[sflag:s1] =	ssyncadd.s32 $0xFFFFE000  }
0xa8: {  	_ =	swait.ge [sflag:s1], $0x2000  }
0xa9: {  	[sflag:s1] =	ssyncset.done $0x0  }
0xaa: {  	s26 =	sadd.s32 $0x1000, s12;
	[sflag:s1] =	ssyncadd.s32 $0xFFFFE000  }
0xab: {  	[tilespmem:s20], [sflag:$0x1] =	stream.indirect.gather [hbm4b:s5+s19], $0x10, s26, s19, $0xb8;
	[tilespmem:$0x14000] =	vst v63  }
0xac: {  	_ =	swait.ge [sflag:s23], $0x2000  }
0xad: {  	[sflag:s23] =	ssyncset.done $0x0  }
0xae: {  	[sflag:s23] =	ssyncadd.s32 $0xFFFFE000  }
0xaf: {  	[spmem:s2] =	stream.indirect.scatter.add.f32 [tilespmem:s29], [sflag:$0x8], $0x10, s13, s19, $0xb8;
	[tilespmem:$0x14000] =	vst v63  }
0xb0: {  	_ = 	snop  }
0xb1: {  	[spmem:s3] =	stream.indirect.scatter.add.f32 [tilespmem:s17], [sflag:$0x8], $0x10, s13, s19, $0xb8;
	[tilespmem:$0x14000] =	vst v63  }
0xb2: {  	_ =	swait.ge [sflag:s0], $0x2000  }
0xb3: {  	[sflag:s0] =	ssyncset.done $0x0  }
.Ltmp3:
0xb4: {  	[sflag:s0] =	ssyncadd.s32 $0xFFFFE000;
	(pc) =	sbr.rel .LBB2_2-.Ltmp3, $4  }
0xb5: {  	_ =	swait.ge [sflag:s0], $0x2000  }
0xb6: {  	[sflag:s0] =	ssyncset.done $0x0  }
0xb7: {  	s11 =	sadd.s32 $0x2000, s11;
	s26 =	sadd.s32 $0x1200, s12;
	[sflag:s0] =	ssyncadd.s32 $0xFFFFE000  }
0xb8: {  	[tilespmem:s21], [sflag:$0x2] =	stream.indirect.gather [hbm4b:s5+s19], $0x10, s26, s19, $0xb8;
	[tilespmem:$0x14000] =	vst v63  }
.LBB2_5:
0xb9: {  	_ =	sfence.sel $0x180000  }
0xba: {  	[bflag:$0x0] =	sbarrier.arrive $0xFFFF  }
0xbb: {  	_ =	strace $0x90000047  }
0xbc: {  	s0 =	stileid.u32;
	[bflag:$0x2] =	sbarrier.arrive $0xFFFF  }
0xbd: {  	p0 =	sne.s32 s0, $0x0;
	s0 =	rddreg [dreg:$0x4]  }
0xbe: {  	s0 =	sadd.s32 @!p0 $0x100000, s0  }
0xbf: {  	[sflag:s0] =	ssyncadd.tile.s32 @!p0 $0x1;
	_ =	shalt  }
.Lfunc_end2:
_tile_overlayer_lowered:
.L_overlay_start_2:
0xc0: {  	(tag) =	ssettag $0x2  }
0xc1: {  	s0 =	rddreg [dreg:$0x0];
	s2 =	stileid.u32  }
0xc2: {  	s1 =	rddreg [dreg:$0x1];
	p0 =	sne.s32 s2, $0x0  }
0xc3: {  	s3 =	rddreg [dreg:$0x2];
	[bflag:$0x3] =	sbarrier.arrive $0xFFFF;
	s2 =	simm.s32 @!p0 $0x1C09  }
0xc4: {  	[timem:s3], [sflag:s2] =	dma.local @!p0 [hbm:s0], s1  }
0xc5: {  	s0 =	simm.s32 @!p0 $0x9  }
0xc6: {  	_ =	swait.ge @!p0 [sflag:s0], s1  }
0xc7: {  	s1 =	ssub.s32 @!p0 $0x0, s1;
	[sflag:s0] =	ssyncset.done @!p0 $0x0  }
0xc8: {  	[sflag:s0] =	ssyncadd.s32 @!p0 s1  }
0xc9: {  	[bflag:$0x3] =	sbarrier.arrive $0xFFFF  }
0xca: {  	_ =	shalt  }

</sc_bundles>
